<compile_context>
chip_gen: v7x
topology: tpu7x:2x2x1
jax: 0.10.2.dev20260603
libtpu: 0.0.44.dev20260713+nightly
codegen_flags: <defaults>
</compile_context>

<pallas_src>
import functools

import jax
import jax.numpy as jnp
from jax import lax
from jax.experimental import pallas as pl
from jax.experimental.pallas import tpu as pltpu
from jax.experimental.pallas import tpu_sc as plsc

B, L, E, V = 4096, 200, 16, 1000000
H1, H2, OUT = 200, 80, 2

NW = 32


POS = B * L
POS_PER_W = POS // NW
PCHUNK = 800
PNCH = POS_PER_W // PCHUNK
IB_PER_W = B // NW


def _gather_tec(ig_hbm, is_hbm, ic_hbm, vg_hbm, vs_hbm, vc_hbm, table_hbm,
                out_item, out_series, idx_v, rows_v, sem):
    wid = lax.axis_index("s") * 2 + lax.axis_index("c")
    vsrc = (vg_hbm, vs_hbm, vc_hbm)

    it_base = wid * IB_PER_W
    for f, src in enumerate((ig_hbm, is_hbm, ic_hbm)):
        pltpu.sync_copy(src.at[pl.ds(it_base, IB_PER_W)],
                        idx_v.at[0, f, pl.ds(0, IB_PER_W)])
        pltpu.async_copy(table_hbm.at[idx_v.at[0, f, pl.ds(0, IB_PER_W)]],
                         rows_v.at[0, f, pl.ds(0, IB_PER_W)], sem).wait()
        pltpu.sync_copy(rows_v.at[0, f, pl.ds(0, IB_PER_W)],
                        out_item.at[pl.ds(it_base, IB_PER_W), f])

    def fire(c, s):
        off = wid * POS_PER_W + c * PCHUNK
        for f in range(3):
            pltpu.sync_copy(vsrc[f].at[pl.ds(off, PCHUNK)], idx_v.at[s, f])
            pltpu.async_copy(table_hbm.at[idx_v.at[s, f]],
                             rows_v.at[s, f], sem)

    def drain_write(c, s):
        off = wid * POS_PER_W + c * PCHUNK
        for f in range(3):
            pltpu.make_async_copy(table_hbm.at[idx_v.at[s, f]],
                                  rows_v.at[s, f], sem).wait()
            pltpu.sync_copy(rows_v.at[s, f],
                            out_series.at[pl.ds(off, PCHUNK), f])

    fire(0, 0)

    def body(i, carry):
        c0 = 2 * i
        fire(c0 + 1, 1)
        drain_write(c0, 0)

        @pl.when(c0 + 2 < PNCH)
        def _fire_next():
            fire(c0 + 2, 0)

        drain_write(c0 + 1, 1)
        return carry

    lax.fori_loop(0, PNCH // 2, body, 0)


def _sc_gather(ig, i_s, ic, vg, vs, vc, table):
    mesh = plsc.VectorSubcoreMesh(core_axis_name="c", subcore_axis_name="s")
    f = functools.partial(
        pl.kernel, mesh=mesh,
        compiler_params=pltpu.CompilerParams(use_tc_tiling_on_sc=False),
        out_type=(
            jax.ShapeDtypeStruct((B, 3, E), jnp.float32),
            jax.ShapeDtypeStruct((POS, 3, E), jnp.float32),
        ),
        scratch_types=[
            pltpu.VMEM((2, 3, PCHUNK), jnp.int32),
            pltpu.VMEM((2, 3, PCHUNK, E), jnp.float32),
            pltpu.SemaphoreType.DMA,
        ],
    )(_gather_tec)
    return f(ig, i_s, ic, vg, vs, vc, table)


def _attn_body(vgt_ref, xit_ref, xs_ref, pooled_ref, xst_ref):
    j = pl.program_id(1)
    xs2 = xs_ref[...]
    xst2 = jnp.transpose(xs2, (1, 0))
    xst = xst2.reshape(-1, 3 * E, xst2.shape[-1])
    xst_ref[...] = xst
    xi_t = xit_ref[...]
    scores_t = jnp.sum(xst * xi_t[None, :, :], axis=1)
    maskf_t = (vgt_ref[...] != 0).astype(jnp.float32)
    ms_t = scores_t * maskf_t
    part_t = jnp.sum(xst * ms_t[:, None, :], axis=0)

    @pl.when(j == 0)
    def _init():
        pooled_ref[...] = part_t

    @pl.when(j != 0)
    def _acc():
        pooled_ref[...] += part_t


def _attention(vg_t, x_item_t, x_series_flat, bb=512, lb=40):
    grid = (B // bb, L // lb)
    return pl.pallas_call(
        _attn_body,
        grid=grid,
        in_specs=[
            pl.BlockSpec((lb, bb), lambda i, j: (j, i)),
            pl.BlockSpec((3 * E, bb), lambda i, j: (0, i)),
            pl.BlockSpec((bb, lb * 3 * E), lambda i, j: (i, j)),
        ],
        out_specs=[
            pl.BlockSpec((3 * E, bb), lambda i, j: (0, i)),
            pl.BlockSpec((lb, 3 * E, bb), lambda i, j: (j, 0, i)),
        ],
        out_shape=[
            jax.ShapeDtypeStruct((3 * E, B), jnp.float32),
            jax.ShapeDtypeStruct((L, 3 * E, B), jnp.float32),
        ],
    )(vg_t, x_item_t, x_series_flat)


def _sigmoid(x):
    return 1.0 / (1.0 + jnp.exp(-x))


def _ln(x, gamma, beta, eps=1e-3):
    mu = jnp.mean(x, axis=-1, keepdims=True)
    var = jnp.mean((x - mu) ** 2, axis=-1, keepdims=True)
    return gamma * (x - mu) / jnp.sqrt(var + eps) + beta


def _dice_act(x, alpha, eps=1e-3):
    mu = jnp.mean(x, axis=0, keepdims=True)
    var = jnp.mean((x - mu) ** 2, axis=0, keepdims=True)
    xn = (x - mu) / jnp.sqrt(var + eps)
    p = _sigmoid(xn)
    return alpha * (1.0 - p) * x + p * x


def _mlp_body(xi_ref, pooled_ref, w1a_ref, w1b_ref, b1_ref, g1_ref, be1_ref,
              a1_ref, w2_ref, b2_ref, g2_ref, be2_ref, a2_ref, w3_ref, b3_ref,
              out_ref):
    h = (jnp.dot(xi_ref[...], w1a_ref[...],
                 preferred_element_type=jnp.float32)
         + lax.dot_general(pooled_ref[...], w1b_ref[...],
                           (((0,), (0,)), ((), ())),
                           preferred_element_type=jnp.float32)
         + b1_ref[...])
    h = _ln(h, g1_ref[...], be1_ref[...])
    h = _dice_act(h, a1_ref[...])
    h = jnp.dot(h, w2_ref[...], preferred_element_type=jnp.float32) + b2_ref[...]
    h = _ln(h, g2_ref[...], be2_ref[...])
    h = _dice_act(h, a2_ref[...])
    logits = jnp.dot(h, w3_ref[...], preferred_element_type=jnp.float32) + b3_ref[...]
    m = jnp.max(logits, axis=-1, keepdims=True)
    e = jnp.exp(logits - m)
    out_ref[...] = e / jnp.sum(e, axis=-1, keepdims=True)


def _mlp(x_item, pooled_t, W1, b1, g1, be1, a1, W2, b2, g2, be2, a2, W3, b3):
    args = (x_item, pooled_t, W1[:3 * E], W1[3 * E:], b1.reshape(1, -1),
            g1.reshape(1, -1),
            be1.reshape(1, -1), a1.reshape(1, -1), W2, b2.reshape(1, -1),
            g2.reshape(1, -1), be2.reshape(1, -1), a2.reshape(1, -1),
            W3, b3.reshape(1, -1))
    return pl.pallas_call(
        _mlp_body,
        out_shape=jax.ShapeDtypeStruct((B, OUT), jnp.float32),
    )(*args)


def kernel(i_goods_id, i_shop_id, i_cate_id, visited_goods_ids,
           visited_shop_ids, visited_cate_ids, emb_table, W1, b1, g1, be1, a1,
           W2, b2, g2, be2, a2, W3, b3):
    item_rows, series_rows = _sc_gather(
        i_goods_id, i_shop_id, i_cate_id,
        visited_goods_ids.reshape(-1), visited_shop_ids.reshape(-1),
        visited_cate_ids.reshape(-1), emb_table)
    x_item = item_rows.reshape(B, 3 * E)
    x_series_flat = series_rows.reshape(B, L * 3 * E)
    valid_mask = visited_goods_ids != 0

    (pooled_t, xs_t) = _attention(
        jnp.transpose(visited_goods_ids), jnp.transpose(x_item),
        x_series_flat)
    x_series_out = jnp.transpose(xs_t, (2, 0, 1))
    output = _mlp(x_item, pooled_t, W1, b1, g1, be1, a1,
                  W2, b2, g2, be2, a2, W3, b3)
    return output, x_series_out, valid_mask

# --- scband reference (transcript-rebuilt; emitter-appended) ---
"""Pipeline reference for scband-gsulayer-11974368821322 (READ-ONLY COPY).

The authoritative reference and input builder live on the scoring server;
editing this copy changes nothing except your own understanding.
"""

import jax, jax.numpy as jnp
import numpy as np

B, L, E, V = 4096, 200, 16, 1000000
H1, H2, OUT = 200, 80, 2
D_IN = 6 * E  # concat(X_item[3E], pooled[3E])


def setup_inputs(seed: int = 0) -> dict:
    key = jax.random.key(seed)
    ks = jax.random.split(key, 20)
    inp = {}
    inp['i_goods_id'] = jax.random.randint(ks[0], (B,), 0, V, dtype=jnp.int32)
    inp['i_shop_id'] = jax.random.randint(ks[1], (B,), 0, V, dtype=jnp.int32)
    inp['i_cate_id'] = jax.random.randint(ks[2], (B,), 0, V, dtype=jnp.int32)
    inp['visited_goods_ids'] = jax.random.randint(ks[3], (B, L), 0, V, dtype=jnp.int32)
    inp['visited_shop_ids'] = jax.random.randint(ks[4], (B, L), 0, V, dtype=jnp.int32)
    inp['visited_cate_ids'] = jax.random.randint(ks[5], (B, L), 0, V, dtype=jnp.int32)
    inp['emb_table'] = jax.random.normal(ks[6], (V, E), dtype=jnp.float32) * 0.05
    inp['W1'] = jax.random.normal(ks[7], (D_IN, H1), dtype=jnp.float32) * (1.0 / np.sqrt(D_IN))
    inp['b1'] = jnp.zeros((H1,), dtype=jnp.float32)
    inp['g1'] = jnp.ones((H1,), dtype=jnp.float32)
    inp['be1'] = jnp.zeros((H1,), dtype=jnp.float32)
    inp['a1'] = jnp.zeros((H1,), dtype=jnp.float32)
    inp['W2'] = jax.random.normal(ks[8], (H1, H2), dtype=jnp.float32) * (1.0 / np.sqrt(H1))
    inp['b2'] = jnp.zeros((H2,), dtype=jnp.float32)
    inp['g2'] = jnp.ones((H2,), dtype=jnp.float32)
    inp['be2'] = jnp.zeros((H2,), dtype=jnp.float32)
    inp['a2'] = jnp.zeros((H2,), dtype=jnp.float32)
    inp['W3'] = jax.random.normal(ks[9], (H2, OUT), dtype=jnp.float32) * (1.0 / np.sqrt(H2))
    inp['b3'] = jnp.zeros((OUT,), dtype=jnp.float32)
    return inp


def _layernorm(x, gamma, beta, eps=1e-3):
    mu = jnp.mean(x, axis=-1, keepdims=True)
    var = jnp.var(x, axis=-1, keepdims=True)
    return gamma * (x - mu) / jnp.sqrt(var + eps) + beta


def _dice(x, alpha, eps=1e-3):
    # BatchNorm(center=False, scale=False) in training mode: per-feature batch stats
    mu = jnp.mean(x, axis=0, keepdims=True)
    var = jnp.var(x, axis=0, keepdims=True)
    xn = (x - mu) / jnp.sqrt(var + eps)
    p = jax.nn.sigmoid(xn)
    return alpha * (1.0 - p) * x + p * x


def reference(i_goods_id, i_shop_id, i_cate_id, visited_goods_ids, visited_shop_ids,
              visited_cate_ids, emb_table, W1, b1, g1, be1, a1, W2, b2, g2, be2, a2, W3, b3):
    # item side: [B,3] indices -> embed -> flatten [B, 3E]
    item_idx = jnp.stack([i_goods_id, i_shop_id, i_cate_id], axis=1)
    X_item = jnp.take(emb_table, item_idx, axis=0).reshape(B, 3 * E)
    # behavior series: stack -> [B,L,3] -> reshape [B, 3L] -> embed -> [B, L, 3E]
    series_idx = jnp.stack([visited_goods_ids, visited_shop_ids, visited_cate_ids], axis=2)
    series_idx = series_idx.reshape(B, 3 * L)
    X_series = jnp.take(emb_table, series_idx, axis=0).reshape(B, L, 3 * E)
    valid_mask = visited_goods_ids != 0
    # inner-product attention
    scores = jnp.einsum('be,ble->bl', X_item, X_series)
    masked_scores = scores * valid_mask.astype(jnp.float32)
    pooled = jnp.einsum('bl,ble->be', masked_scores, X_series)
    X = jnp.concatenate([X_item, pooled], axis=1)
    h = X @ W1 + b1
    h = _layernorm(h, g1, be1)
    h = _dice(h, a1)
    h = h @ W2 + b2
    h = _layernorm(h, g2, be2)
    h = _dice(h, a2)
    logits = h @ W3 + b3
    output = jax.nn.softmax(logits, axis=-1)
    return output, X_series, valid_mask

if __name__ == "__main__":
    import jax
    _d = setup_inputs()
    print(jax.jit(kernel)(*tuple(_d.values())))

</pallas_src>

<mosaic_0001>
#map = affine_map<(d0, d1) -> (0)>
#map1 = affine_map<(d0, d1) -> (0, 0)>
#map2 = affine_map<(d0, d1) -> (0, 0, 0)>
module attributes {stable_mosaic.version = 14 : i64} {
  func.func @_gather_tec(%arg0: i32, %arg1: i32, %arg2: memref<4096xi32, #tpu.memory_space<hbm>>, %arg3: memref<4096xi32, #tpu.memory_space<hbm>>, %arg4: memref<4096xi32, #tpu.memory_space<hbm>>, %arg5: memref<819200xi32, #tpu.memory_space<hbm>>, %arg6: memref<819200xi32, #tpu.memory_space<hbm>>, %arg7: memref<819200xi32, #tpu.memory_space<hbm>>, %arg8: memref<1000000x16xf32, #tpu.memory_space<hbm>>, %arg9: memref<4096x3x16xf32, #tpu.memory_space<hbm>>, %arg10: memref<819200x3x16xf32, #tpu.memory_space<hbm>>, %arg11: memref<2x3x800xi32, #tpu.memory_space<vmem>>, %arg12: memref<2x3x800x16xf32, #tpu.memory_space<vmem>>, %arg13: memref<!tpu.dma_semaphore, #tpu.memory_space<semaphore_mem>>) attributes {dimension_semantics = [#tpu.dimension_semantics<core_parallel>, #tpu.dimension_semantics<subcore_parallel>], iteration_bounds = array<i64: 2, 16>, scalar_prefetch = 0 : i64, scratch_operands = 3 : i64, tpu.core_type = #tpu.core_type<sc_vector_subcore>, window_params = [{transform_indices = #map}, {transform_indices = #map}, {transform_indices = #map}, {transform_indices = #map}, {transform_indices = #map}, {transform_indices = #map}, {transform_indices = #map1}, {transform_indices = #map2}, {transform_indices = #map2}]} {
    %mul3A = arith.constant 2 : i32
    %mul3A_0 = arith.muli %arg1, %mul3A : i32
    %add3A = arith.addi %mul3A_0, %arg0 : i32
    %mul3A_1 = arith.constant 128 : i32
    %mul3A_2 = arith.muli %add3A, %mul3A_1 : i32
    %run_scoped3A = arith.constant 0 : i32
    %run_scoped3A_3 = arith.constant 0 : i32
    "tpu.region"() ({
      %run_scoped3A_156 = tpu.sem_alloc : memref<!tpu.dma_semaphore, #tpu.memory_space<semaphore_mem>>
      %dma_start3A_157 = arith.constant 0 : i32
      %dma_start3A_158 = tpu.memref_slice %arg11[%run_scoped3A, %run_scoped3A_3, %dma_start3A_157] : memref<2x3x800xi32, #tpu.memory_space<vmem>> -> memref<1x1x128xi32, #tpu.memory_space<vmem>>
      %dma_start3A_159 = tpu.memref_squeeze %dma_start3A_158 : memref<1x1x128xi32, #tpu.memory_space<vmem>> -> memref<128xi32, #tpu.memory_space<vmem>>
      %dma_start3A_160 = tpu.memref_slice %arg2[%mul3A_2] : memref<4096xi32, #tpu.memory_space<hbm>> -> memref<128xi32, #tpu.memory_space<hbm>>
      %dma_start3A_161 = arith.constant 0 : i32
      %dma_start3A_162 = tpu.memref_slice %arg11[%run_scoped3A, %run_scoped3A_3, %dma_start3A_161] : memref<2x3x800xi32, #tpu.memory_space<vmem>> -> memref<1x1x128xi32, #tpu.memory_space<vmem>>
      %dma_start3A_163 = tpu.memref_squeeze %dma_start3A_162 : memref<1x1x128xi32, #tpu.memory_space<vmem>> -> memref<128xi32, #tpu.memory_space<vmem>>
      %dma_start3A_164 = tpu.memref_slice %arg2[%mul3A_2] : memref<4096xi32, #tpu.memory_space<hbm>> -> memref<128xi32, #tpu.memory_space<hbm>>
      tpu.enqueue_dma source(%dma_start3A_164 : memref<128xi32, #tpu.memory_space<hbm>>) target(%dma_start3A_163 : memref<128xi32, #tpu.memory_space<vmem>>) target_semaphore(%run_scoped3A_156 : memref<!tpu.dma_semaphore, #tpu.memory_space<semaphore_mem>>)
      %dma_wait3A_165 = arith.constant 0 : i32
      %dma_wait3A_166 = tpu.memref_slice %arg11[%run_scoped3A, %run_scoped3A_3, %dma_wait3A_165] : memref<2x3x800xi32, #tpu.memory_space<vmem>> -> memref<1x1x128xi32, #tpu.memory_space<vmem>>
      %dma_wait3A_167 = tpu.memref_squeeze %dma_wait3A_166 : memref<1x1x128xi32, #tpu.memory_space<vmem>> -> memref<128xi32, #tpu.memory_space<vmem>>
      %dma_wait3A_168 = tpu.memref_slice %arg2[%mul3A_2] : memref<4096xi32, #tpu.memory_space<hbm>> -> memref<128xi32, #tpu.memory_space<hbm>>
      %dma_wait3A_169 = arith.constant 0 : i32
      %dma_wait3A_170 = tpu.memref_slice %arg11[%run_scoped3A, %run_scoped3A_3, %dma_wait3A_169] : memref<2x3x800xi32, #tpu.memory_space<vmem>> -> memref<1x1x128xi32, #tpu.memory_space<vmem>>
      %dma_wait3A_171 = tpu.memref_squeeze %dma_wait3A_170 : memref<1x1x128xi32, #tpu.memory_space<vmem>> -> memref<128xi32, #tpu.memory_space<vmem>>
      %dma_wait3A_172 = tpu.memref_slice %arg2[%mul3A_2] : memref<4096xi32, #tpu.memory_space<hbm>> -> memref<128xi32, #tpu.memory_space<hbm>>
      tpu.wait_dma2 semaphore(%run_scoped3A_156 : memref<!tpu.dma_semaphore, #tpu.memory_space<semaphore_mem>>) src(%dma_wait3A_172 : memref<128xi32, #tpu.memory_space<hbm>>) dst(%dma_wait3A_171 : memref<128xi32, #tpu.memory_space<vmem>>)
      tpu.yield
    }) : () -> ()
    %dma_start3A = arith.constant 0 : i32
    %dma_start3A_4 = arith.constant 0 : i32
    %dma_start3A_5 = arith.constant 0 : i32
    %dma_start3A_6 = arith.constant 0 : i32
    %dma_start3A_7 = arith.constant 0 : i32
    %dma_start3A_8 = arith.constant 0 : i32
    %dma_start3A_9 = tpu.memref_slice %arg12[%dma_start3A_5, %dma_start3A_6, %dma_start3A_7, %dma_start3A_8] : memref<2x3x800x16xf32, #tpu.memory_space<vmem>> -> memref<1x1x128x16xf32, #tpu.memory_space<vmem>>
    %dma_start3A_10 = tpu.memref_squeeze %dma_start3A_9 : memref<1x1x128x16xf32, #tpu.memory_space<vmem>> -> memref<128x16xf32, #tpu.memory_space<vmem>>
    %dma_start3A_11 = arith.constant 0 : i32
    %dma_start3A_12 = tpu.memref_slice %arg11[%dma_start3A, %dma_start3A_4, %dma_start3A_11] : memref<2x3x800xi32, #tpu.memory_space<vmem>> -> memref<1x1x128xi32, #tpu.memory_space<vmem>>
    %dma_start3A_13 = tpu.memref_squeeze %dma_start3A_12 : memref<1x1x128xi32, #tpu.memory_space<vmem>> -> memref<128xi32, #tpu.memory_space<vmem>>
    %dma_start3A_14 = arith.constant 0 : i32
    %dma_start3A_15 = arith.constant 0 : i32
    %dma_start3A_16 = tpu.memref_slice %arg8[%dma_start3A_14, %dma_start3A_15] : memref<1000000x16xf32, #tpu.memory_space<hbm>> -> memref<1000000x16xf32, #tpu.memory_space<hbm>>
    tpu.enqueue_indirect_dma source(%dma_start3A_16 : memref<1000000x16xf32, #tpu.memory_space<hbm>>) target(%dma_start3A_10 : memref<128x16xf32, #tpu.memory_space<vmem>>) offsets(%dma_start3A_13 : memref<128xi32, #tpu.memory_space<vmem>>) semaphore(%arg13 : memref<!tpu.dma_semaphore, #tpu.memory_space<semaphore_mem>>)
    %dma_wait3A = arith.constant 0 : i32
    %dma_wait3A_17 = arith.constant 0 : i32
    %dma_wait3A_18 = arith.constant 0 : i32
    %dma_wait3A_19 = arith.constant 0 : i32
    %dma_wait3A_20 = arith.constant 0 : i32
    %dma_wait3A_21 = arith.constant 0 : i32
    %dma_wait3A_22 = tpu.memref_slice %arg12[%dma_wait3A_18, %dma_wait3A_19, %dma_wait3A_20, %dma_wait3A_21] : memref<2x3x800x16xf32, #tpu.memory_space<vmem>> -> memref<1x1x128x16xf32, #tpu.memory_space<vmem>>
    %dma_wait3A_23 = tpu.memref_squeeze %dma_wait3A_22 : memref<1x1x128x16xf32, #tpu.memory_space<vmem>> -> memref<128x16xf32, #tpu.memory_space<vmem>>
    %dma_wait3A_24 = arith.constant 0 : i32
    %dma_wait3A_25 = tpu.memref_slice %arg11[%dma_wait3A, %dma_wait3A_17, %dma_wait3A_24] : memref<2x3x800xi32, #tpu.memory_space<vmem>> -> memref<1x1x128xi32, #tpu.memory_space<vmem>>
    %dma_wait3A_26 = tpu.memref_squeeze %dma_wait3A_25 : memref<1x1x128xi32, #tpu.memory_space<vmem>> -> memref<128xi32, #tpu.memory_space<vmem>>
    %dma_wait3A_27 = arith.constant 0 : i32
    %dma_wait3A_28 = arith.constant 0 : i32
    %dma_wait3A_29 = tpu.memref_slice %arg8[%dma_wait3A_27, %dma_wait3A_28] : memref<1000000x16xf32, #tpu.memory_space<hbm>> -> memref<1000000x16xf32, #tpu.memory_space<hbm>>
    tpu.wait_indirect_dma semaphore(%arg13 : memref<!tpu.dma_semaphore, #tpu.memory_space<semaphore_mem>>) src(%dma_wait3A_29 : memref<1000000x16xf32, #tpu.memory_space<hbm>>) dst(%dma_wait3A_23 : memref<128x16xf32, #tpu.memory_space<vmem>>)
    %run_scoped3A_30 = arith.constant 0 : i32
    %run_scoped3A_31 = arith.constant 0 : i32
    %run_scoped3A_32 = arith.constant 0 : i32
    "tpu.region"() ({
      %run_scoped3A_156 = tpu.sem_alloc : memref<!tpu.dma_semaphore, #tpu.memory_space<semaphore_mem>>
      %dma_start3A_157 = arith.constant 0 : i32
      %dma_start3A_158 = arith.constant 0 : i32
      %dma_start3A_159 = tpu.memref_slice %arg12[%run_scoped3A_30, %run_scoped3A_31, %dma_start3A_157, %dma_start3A_158] : memref<2x3x800x16xf32, #tpu.memory_space<vmem>> -> memref<1x1x128x16xf32, #tpu.memory_space<vmem>>
      %dma_start3A_160 = tpu.memref_squeeze %dma_start3A_159 : memref<1x1x128x16xf32, #tpu.memory_space<vmem>> -> memref<128x16xf32, #tpu.memory_space<vmem>>
      %dma_start3A_161 = arith.constant 0 : i32
      %dma_start3A_162 = tpu.memref_slice %arg9[%mul3A_2, %run_scoped3A_32, %dma_start3A_161] : memref<4096x3x16xf32, #tpu.memory_space<hbm>> -> memref<128x1x16xf32, #tpu.memory_space<hbm>>
      %dma_start3A_163 = tpu.memref_squeeze %dma_start3A_162 : memref<128x1x16xf32, #tpu.memory_space<hbm>> -> memref<128x16xf32, #tpu.memory_space<hbm>>
      %dma_start3A_164 = arith.constant 0 : i32
      %dma_start3A_165 = tpu.memref_slice %arg9[%mul3A_2, %run_scoped3A_32, %dma_start3A_164] : memref<4096x3x16xf32, #tpu.memory_space<hbm>> -> memref<128x1x16xf32, #tpu.memory_space<hbm>>
      %dma_start3A_166 = tpu.memref_squeeze %dma_start3A_165 : memref<128x1x16xf32, #tpu.memory_space<hbm>> -> memref<128x16xf32, #tpu.memory_space<hbm>>
      %dma_start3A_167 = arith.constant 0 : i32
      %dma_start3A_168 = arith.constant 0 : i32
      %dma_start3A_169 = tpu.memref_slice %arg12[%run_scoped3A_30, %run_scoped3A_31, %dma_start3A_167, %dma_start3A_168] : memref<2x3x800x16xf32, #tpu.memory_space<vmem>> -> memref<1x1x128x16xf32, #tpu.memory_space<vmem>>
      %dma_start3A_170 = tpu.memref_squeeze %dma_start3A_169 : memref<1x1x128x16xf32, #tpu.memory_space<vmem>> -> memref<128x16xf32, #tpu.memory_space<vmem>>
      tpu.enqueue_dma source(%dma_start3A_170 : memref<128x16xf32, #tpu.memory_space<vmem>>) target(%dma_start3A_166 : memref<128x16xf32, #tpu.memory_space<hbm>>) target_semaphore(%run_scoped3A_156 : memref<!tpu.dma_semaphore, #tpu.memory_space<semaphore_mem>>)
      %dma_wait3A_171 = arith.constant 0 : i32
      %dma_wait3A_172 = arith.constant 0 : i32
      %dma_wait3A_173 = tpu.memref_slice %arg12[%run_scoped3A_30, %run_scoped3A_31, %dma_wait3A_171, %dma_wait3A_172] : memref<2x3x800x16xf32, #tpu.memory_space<vmem>> -> memref<1x1x128x16xf32, #tpu.memory_space<vmem>>
      %dma_wait3A_174 = tpu.memref_squeeze %dma_wait3A_173 : memref<1x1x128x16xf32, #tpu.memory_space<vmem>> -> memref<128x16xf32, #tpu.memory_space<vmem>>
      %dma_wait3A_175 = arith.constant 0 : i32
      %dma_wait3A_176 = tpu.memref_slice %arg9[%mul3A_2, %run_scoped3A_32, %dma_wait3A_175] : memref<4096x3x16xf32, #tpu.memory_space<hbm>> -> memref<128x1x16xf32, #tpu.memory_space<hbm>>
      %dma_wait3A_177 = tpu.memref_squeeze %dma_wait3A_176 : memref<128x1x16xf32, #tpu.memory_space<hbm>> -> memref<128x16xf32, #tpu.memory_space<hbm>>
      %dma_wait3A_178 = arith.constant 0 : i32
      %dma_wait3A_179 = tpu.memref_slice %arg9[%mul3A_2, %run_scoped3A_32, %dma_wait3A_178] : memref<4096x3x16xf32, #tpu.memory_space<hbm>> -> memref<128x1x16xf32, #tpu.memory_space<hbm>>
      %dma_wait3A_180 = tpu.memref_squeeze %dma_wait3A_179 : memref<128x1x16xf32, #tpu.memory_space<hbm>> -> memref<128x16xf32, #tpu.memory_space<hbm>>
      %dma_wait3A_181 = arith.constant 0 : i32
      %dma_wait3A_182 = arith.constant 0 : i32
      %dma_wait3A_183 = tpu.memref_slice %arg12[%run_scoped3A_30, %run_scoped3A_31, %dma_wait3A_181, %dma_wait3A_182] : memref<2x3x800x16xf32, #tpu.memory_space<vmem>> -> memref<1x1x128x16xf32, #tpu.memory_space<vmem>>
      %dma_wait3A_184 = tpu.memref_squeeze %dma_wait3A_183 : memref<1x1x128x16xf32, #tpu.memory_space<vmem>> -> memref<128x16xf32, #tpu.memory_space<vmem>>
      tpu.wait_dma2 semaphore(%run_scoped3A_156 : memref<!tpu.dma_semaphore, #tpu.memory_space<semaphore_mem>>) src(%dma_wait3A_184 : memref<128x16xf32, #tpu.memory_space<vmem>>) dst(%dma_wait3A_180 : memref<128x16xf32, #tpu.memory_space<hbm>>)
      tpu.yield
    }) : () -> ()
    %run_scoped3A_33 = arith.constant 0 : i32
    %run_scoped3A_34 = arith.constant 1 : i32
    "tpu.region"() ({
      %run_scoped3A_156 = tpu.sem_alloc : memref<!tpu.dma_semaphore, #tpu.memory_space<semaphore_mem>>
      %dma_start3A_157 = arith.constant 0 : i32
      %dma_start3A_158 = tpu.memref_slice %arg11[%run_scoped3A_33, %run_scoped3A_34, %dma_start3A_157] : memref<2x3x800xi32, #tpu.memory_space<vmem>> -> memref<1x1x128xi32, #tpu.memory_space<vmem>>
      %dma_start3A_159 = tpu.memref_squeeze %dma_start3A_158 : memref<1x1x128xi32, #tpu.memory_space<vmem>> -> memref<128xi32, #tpu.memory_space<vmem>>
      %dma_start3A_160 = tpu.memref_slice %arg3[%mul3A_2] : memref<4096xi32, #tpu.memory_space<hbm>> -> memref<128xi32, #tpu.memory_space<hbm>>
      %dma_start3A_161 = arith.constant 0 : i32
      %dma_start3A_162 = tpu.memref_slice %arg11[%run_scoped3A_33, %run_scoped3A_34, %dma_start3A_161] : memref<2x3x800xi32, #tpu.memory_space<vmem>> -> memref<1x1x128xi32, #tpu.memory_space<vmem>>
      %dma_start3A_163 = tpu.memref_squeeze %dma_start3A_162 : memref<1x1x128xi32, #tpu.memory_space<vmem>> -> memref<128xi32, #tpu.memory_space<vmem>>
      %dma_start3A_164 = tpu.memref_slice %arg3[%mul3A_2] : memref<4096xi32, #tpu.memory_space<hbm>> -> memref<128xi32, #tpu.memory_space<hbm>>
      tpu.enqueue_dma source(%dma_start3A_164 : memref<128xi32, #tpu.memory_space<hbm>>) target(%dma_start3A_163 : memref<128xi32, #tpu.memory_space<vmem>>) target_semaphore(%run_scoped3A_156 : memref<!tpu.dma_semaphore, #tpu.memory_space<semaphore_mem>>)
      %dma_wait3A_165 = arith.constant 0 : i32
      %dma_wait3A_166 = tpu.memref_slice %arg11[%run_scoped3A_33, %run_scoped3A_34, %dma_wait3A_165] : memref<2x3x800xi32, #tpu.memory_space<vmem>> -> memref<1x1x128xi32, #tpu.memory_space<vmem>>
      %dma_wait3A_167 = tpu.memref_squeeze %dma_wait3A_166 : memref<1x1x128xi32, #tpu.memory_space<vmem>> -> memref<128xi32, #tpu.memory_space<vmem>>
      %dma_wait3A_168 = tpu.memref_slice %arg3[%mul3A_2] : memref<4096xi32, #tpu.memory_space<hbm>> -> memref<128xi32, #tpu.memory_space<hbm>>
      %dma_wait3A_169 = arith.constant 0 : i32
      %dma_wait3A_170 = tpu.memref_slice %arg11[%run_scoped3A_33, %run_scoped3A_34, %dma_wait3A_169] : memref<2x3x800xi32, #tpu.memory_space<vmem>> -> memref<1x1x128xi32, #tpu.memory_space<vmem>>
      %dma_wait3A_171 = tpu.memref_squeeze %dma_wait3A_170 : memref<1x1x128xi32, #tpu.memory_space<vmem>> -> memref<128xi32, #tpu.memory_space<vmem>>
      %dma_wait3A_172 = tpu.memref_slice %arg3[%mul3A_2] : memref<4096xi32, #tpu.memory_space<hbm>> -> memref<128xi32, #tpu.memory_space<hbm>>
      tpu.wait_dma2 semaphore(%run_scoped3A_156 : memref<!tpu.dma_semaphore, #tpu.memory_space<semaphore_mem>>) src(%dma_wait3A_172 : memref<128xi32, #tpu.memory_space<hbm>>) dst(%dma_wait3A_171 : memref<128xi32, #tpu.memory_space<vmem>>)
      tpu.yield
    }) : () -> ()
    %dma_start3A_35 = arith.constant 0 : i32
    %dma_start3A_36 = arith.constant 1 : i32
    %dma_start3A_37 = arith.constant 0 : i32
    %dma_start3A_38 = arith.constant 1 : i32
    %dma_start3A_39 = arith.constant 0 : i32
    %dma_start3A_40 = arith.constant 0 : i32
    %dma_start3A_41 = tpu.memref_slice %arg12[%dma_start3A_37, %dma_start3A_38, %dma_start3A_39, %dma_start3A_40] : memref<2x3x800x16xf32, #tpu.memory_space<vmem>> -> memref<1x1x128x16xf32, #tpu.memory_space<vmem>>
    %dma_start3A_42 = tpu.memref_squeeze %dma_start3A_41 : memref<1x1x128x16xf32, #tpu.memory_space<vmem>> -> memref<128x16xf32, #tpu.memory_space<vmem>>
    %dma_start3A_43 = arith.constant 0 : i32
    %dma_start3A_44 = tpu.memref_slice %arg11[%dma_start3A_35, %dma_start3A_36, %dma_start3A_43] : memref<2x3x800xi32, #tpu.memory_space<vmem>> -> memref<1x1x128xi32, #tpu.memory_space<vmem>>
    %dma_start3A_45 = tpu.memref_squeeze %dma_start3A_44 : memref<1x1x128xi32, #tpu.memory_space<vmem>> -> memref<128xi32, #tpu.memory_space<vmem>>
    %dma_start3A_46 = arith.constant 0 : i32
    %dma_start3A_47 = arith.constant 0 : i32
    %dma_start3A_48 = tpu.memref_slice %arg8[%dma_start3A_46, %dma_start3A_47] : memref<1000000x16xf32, #tpu.memory_space<hbm>> -> memref<1000000x16xf32, #tpu.memory_space<hbm>>
    tpu.enqueue_indirect_dma source(%dma_start3A_48 : memref<1000000x16xf32, #tpu.memory_space<hbm>>) target(%dma_start3A_42 : memref<128x16xf32, #tpu.memory_space<vmem>>) offsets(%dma_start3A_45 : memref<128xi32, #tpu.memory_space<vmem>>) semaphore(%arg13 : memref<!tpu.dma_semaphore, #tpu.memory_space<semaphore_mem>>)
    %dma_wait3A_49 = arith.constant 0 : i32
    %dma_wait3A_50 = arith.constant 1 : i32
    %dma_wait3A_51 = arith.constant 0 : i32
    %dma_wait3A_52 = arith.constant 1 : i32
    %dma_wait3A_53 = arith.constant 0 : i32
    %dma_wait3A_54 = arith.constant 0 : i32
    %dma_wait3A_55 = tpu.memref_slice %arg12[%dma_wait3A_51, %dma_wait3A_52, %dma_wait3A_53, %dma_wait3A_54] : memref<2x3x800x16xf32, #tpu.memory_space<vmem>> -> memref<1x1x128x16xf32, #tpu.memory_space<vmem>>
    %dma_wait3A_56 = tpu.memref_squeeze %dma_wait3A_55 : memref<1x1x128x16xf32, #tpu.memory_space<vmem>> -> memref<128x16xf32, #tpu.memory_space<vmem>>
    %dma_wait3A_57 = arith.constant 0 : i32
    %dma_wait3A_58 = tpu.memref_slice %arg11[%dma_wait3A_49, %dma_wait3A_50, %dma_wait3A_57] : memref<2x3x800xi32, #tpu.memory_space<vmem>> -> memref<1x1x128xi32, #tpu.memory_space<vmem>>
    %dma_wait3A_59 = tpu.memref_squeeze %dma_wait3A_58 : memref<1x1x128xi32, #tpu.memory_space<vmem>> -> memref<128xi32, #tpu.memory_space<vmem>>
    %dma_wait3A_60 = arith.constant 0 : i32
    %dma_wait3A_61 = arith.constant 0 : i32
    %dma_wait3A_62 = tpu.memref_slice %arg8[%dma_wait3A_60, %dma_wait3A_61] : memref<1000000x16xf32, #tpu.memory_space<hbm>> -> memref<1000000x16xf32, #tpu.memory_space<hbm>>
    tpu.wait_indirect_dma semaphore(%arg13 : memref<!tpu.dma_semaphore, #tpu.memory_space<semaphore_mem>>) src(%dma_wait3A_62 : memref<1000000x16xf32, #tpu.memory_space<hbm>>) dst(%dma_wait3A_56 : memref<128x16xf32, #tpu.memory_space<vmem>>)
    %run_scoped3A_63 = arith.constant 0 : i32
    %run_scoped3A_64 = arith.constant 1 : i32
    %run_scoped3A_65 = arith.constant 1 : i32
    "tpu.region"() ({
      %run_scoped3A_156 = tpu.sem_alloc : memref<!tpu.dma_semaphore, #tpu.memory_space<semaphore_mem>>
      %dma_start3A_157 = arith.constant 0 : i32
      %dma_start3A_158 = arith.constant 0 : i32
      %dma_start3A_159 = tpu.memref_slice %arg12[%run_scoped3A_63, %run_scoped3A_64, %dma_start3A_157, %dma_start3A_158] : memref<2x3x800x16xf32, #tpu.memory_space<vmem>> -> memref<1x1x128x16xf32, #tpu.memory_space<vmem>>
      %dma_start3A_160 = tpu.memref_squeeze %dma_start3A_159 : memref<1x1x128x16xf32, #tpu.memory_space<vmem>> -> memref<128x16xf32, #tpu.memory_space<vmem>>
      %dma_start3A_161 = arith.constant 0 : i32
      %dma_start3A_162 = tpu.memref_slice %arg9[%mul3A_2, %run_scoped3A_65, %dma_start3A_161] : memref<4096x3x16xf32, #tpu.memory_space<hbm>> -> memref<128x1x16xf32, #tpu.memory_space<hbm>>
      %dma_start3A_163 = tpu.memref_squeeze %dma_start3A_162 : memref<128x1x16xf32, #tpu.memory_space<hbm>> -> memref<128x16xf32, #tpu.memory_space<hbm>>
      %dma_start3A_164 = arith.constant 0 : i32
      %dma_start3A_165 = tpu.memref_slice %arg9[%mul3A_2, %run_scoped3A_65, %dma_start3A_164] : memref<4096x3x16xf32, #tpu.memory_space<hbm>> -> memref<128x1x16xf32, #tpu.memory_space<hbm>>
      %dma_start3A_166 = tpu.memref_squeeze %dma_start3A_165 : memref<128x1x16xf32, #tpu.memory_space<hbm>> -> memref<128x16xf32, #tpu.memory_space<hbm>>
      %dma_start3A_167 = arith.constant 0 : i32
      %dma_start3A_168 = arith.constant 0 : i32
      %dma_start3A_169 = tpu.memref_slice %arg12[%run_scoped3A_63, %run_scoped3A_64, %dma_start3A_167, %dma_start3A_168] : memref<2x3x800x16xf32, #tpu.memory_space<vmem>> -> memref<1x1x128x16xf32, #tpu.memory_space<vmem>>
      %dma_start3A_170 = tpu.memref_squeeze %dma_start3A_169 : memref<1x1x128x16xf32, #tpu.memory_space<vmem>> -> memref<128x16xf32, #tpu.memory_space<vmem>>
      tpu.enqueue_dma source(%dma_start3A_170 : memref<128x16xf32, #tpu.memory_space<vmem>>) target(%dma_start3A_166 : memref<128x16xf32, #tpu.memory_space<hbm>>) target_semaphore(%run_scoped3A_156 : memref<!tpu.dma_semaphore, #tpu.memory_space<semaphore_mem>>)
      %dma_wait3A_171 = arith.constant 0 : i32
      %dma_wait3A_172 = arith.constant 0 : i32
      %dma_wait3A_173 = tpu.memref_slice %arg12[%run_scoped3A_63, %run_scoped3A_64, %dma_wait3A_171, %dma_wait3A_172] : memref<2x3x800x16xf32, #tpu.memory_space<vmem>> -> memref<1x1x128x16xf32, #tpu.memory_space<vmem>>
      %dma_wait3A_174 = tpu.memref_squeeze %dma_wait3A_173 : memref<1x1x128x16xf32, #tpu.memory_space<vmem>> -> memref<128x16xf32, #tpu.memory_space<vmem>>
      %dma_wait3A_175 = arith.constant 0 : i32
      %dma_wait3A_176 = tpu.memref_slice %arg9[%mul3A_2, %run_scoped3A_65, %dma_wait3A_175] : memref<4096x3x16xf32, #tpu.memory_space<hbm>> -> memref<128x1x16xf32, #tpu.memory_space<hbm>>
      %dma_wait3A_177 = tpu.memref_squeeze %dma_wait3A_176 : memref<128x1x16xf32, #tpu.memory_space<hbm>> -> memref<128x16xf32, #tpu.memory_space<hbm>>
      %dma_wait3A_178 = arith.constant 0 : i32
      %dma_wait3A_179 = tpu.memref_slice %arg9[%mul3A_2, %run_scoped3A_65, %dma_wait3A_178] : memref<4096x3x16xf32, #tpu.memory_space<hbm>> -> memref<128x1x16xf32, #tpu.memory_space<hbm>>
      %dma_wait3A_180 = tpu.memref_squeeze %dma_wait3A_179 : memref<128x1x16xf32, #tpu.memory_space<hbm>> -> memref<128x16xf32, #tpu.memory_space<hbm>>
      %dma_wait3A_181 = arith.constant 0 : i32
      %dma_wait3A_182 = arith.constant 0 : i32
      %dma_wait3A_183 = tpu.memref_slice %arg12[%run_scoped3A_63, %run_scoped3A_64, %dma_wait3A_181, %dma_wait3A_182] : memref<2x3x800x16xf32, #tpu.memory_space<vmem>> -> memref<1x1x128x16xf32, #tpu.memory_space<vmem>>
      %dma_wait3A_184 = tpu.memref_squeeze %dma_wait3A_183 : memref<1x1x128x16xf32, #tpu.memory_space<vmem>> -> memref<128x16xf32, #tpu.memory_space<vmem>>
      tpu.wait_dma2 semaphore(%run_scoped3A_156 : memref<!tpu.dma_semaphore, #tpu.memory_space<semaphore_mem>>) src(%dma_wait3A_184 : memref<128x16xf32, #tpu.memory_space<vmem>>) dst(%dma_wait3A_180 : memref<128x16xf32, #tpu.memory_space<hbm>>)
      tpu.yield
    }) : () -> ()
    %run_scoped3A_66 = arith.constant 0 : i32
    %run_scoped3A_67 = arith.constant 2 : i32
    "tpu.region"() ({
      %run_scoped3A_156 = tpu.sem_alloc : memref<!tpu.dma_semaphore, #tpu.memory_space<semaphore_mem>>
      %dma_start3A_157 = arith.constant 0 : i32
      %dma_start3A_158 = tpu.memref_slice %arg11[%run_scoped3A_66, %run_scoped3A_67, %dma_start3A_157] : memref<2x3x800xi32, #tpu.memory_space<vmem>> -> memref<1x1x128xi32, #tpu.memory_space<vmem>>
      %dma_start3A_159 = tpu.memref_squeeze %dma_start3A_158 : memref<1x1x128xi32, #tpu.memory_space<vmem>> -> memref<128xi32, #tpu.memory_space<vmem>>
      %dma_start3A_160 = tpu.memref_slice %arg4[%mul3A_2] : memref<4096xi32, #tpu.memory_space<hbm>> -> memref<128xi32, #tpu.memory_space<hbm>>
      %dma_start3A_161 = arith.constant 0 : i32
      %dma_start3A_162 = tpu.memref_slice %arg11[%run_scoped3A_66, %run_scoped3A_67, %dma_start3A_161] : memref<2x3x800xi32, #tpu.memory_space<vmem>> -> memref<1x1x128xi32, #tpu.memory_space<vmem>>
      %dma_start3A_163 = tpu.memref_squeeze %dma_start3A_162 : memref<1x1x128xi32, #tpu.memory_space<vmem>> -> memref<128xi32, #tpu.memory_space<vmem>>
      %dma_start3A_164 = tpu.memref_slice %arg4[%mul3A_2] : memref<4096xi32, #tpu.memory_space<hbm>> -> memref<128xi32, #tpu.memory_space<hbm>>
      tpu.enqueue_dma source(%dma_start3A_164 : memref<128xi32, #tpu.memory_space<hbm>>) target(%dma_start3A_163 : memref<128xi32, #tpu.memory_space<vmem>>) target_semaphore(%run_scoped3A_156 : memref<!tpu.dma_semaphore, #tpu.memory_space<semaphore_mem>>)
      %dma_wait3A_165 = arith.constant 0 : i32
      %dma_wait3A_166 = tpu.memref_slice %arg11[%run_scoped3A_66, %run_scoped3A_67, %dma_wait3A_165] : memref<2x3x800xi32, #tpu.memory_space<vmem>> -> memref<1x1x128xi32, #tpu.memory_space<vmem>>
      %dma_wait3A_167 = tpu.memref_squeeze %dma_wait3A_166 : memref<1x1x128xi32, #tpu.memory_space<vmem>> -> memref<128xi32, #tpu.memory_space<vmem>>
      %dma_wait3A_168 = tpu.memref_slice %arg4[%mul3A_2] : memref<4096xi32, #tpu.memory_space<hbm>> -> memref<128xi32, #tpu.memory_space<hbm>>
      %dma_wait3A_169 = arith.constant 0 : i32
      %dma_wait3A_170 = tpu.memref_slice %arg11[%run_scoped3A_66, %run_scoped3A_67, %dma_wait3A_169] : memref<2x3x800xi32, #tpu.memory_space<vmem>> -> memref<1x1x128xi32, #tpu.memory_space<vmem>>
      %dma_wait3A_171 = tpu.memref_squeeze %dma_wait3A_170 : memref<1x1x128xi32, #tpu.memory_space<vmem>> -> memref<128xi32, #tpu.memory_space<vmem>>
      %dma_wait3A_172 = tpu.memref_slice %arg4[%mul3A_2] : memref<4096xi32, #tpu.memory_space<hbm>> -> memref<128xi32, #tpu.memory_space<hbm>>
      tpu.wait_dma2 semaphore(%run_scoped3A_156 : memref<!tpu.dma_semaphore, #tpu.memory_space<semaphore_mem>>) src(%dma_wait3A_172 : memref<128xi32, #tpu.memory_space<hbm>>) dst(%dma_wait3A_171 : memref<128xi32, #tpu.memory_space<vmem>>)
      tpu.yield
    }) : () -> ()
    %dma_start3A_68 = arith.constant 0 : i32
    %dma_start3A_69 = arith.constant 2 : i32
    %dma_start3A_70 = arith.constant 0 : i32
    %dma_start3A_71 = arith.constant 2 : i32
    %dma_start3A_72 = arith.constant 0 : i32
    %dma_start3A_73 = arith.constant 0 : i32
    %dma_start3A_74 = tpu.memref_slice %arg12[%dma_start3A_70, %dma_start3A_71, %dma_start3A_72, %dma_start3A_73] : memref<2x3x800x16xf32, #tpu.memory_space<vmem>> -> memref<1x1x128x16xf32, #tpu.memory_space<vmem>>
    %dma_start3A_75 = tpu.memref_squeeze %dma_start3A_74 : memref<1x1x128x16xf32, #tpu.memory_space<vmem>> -> memref<128x16xf32, #tpu.memory_space<vmem>>
    %dma_start3A_76 = arith.constant 0 : i32
    %dma_start3A_77 = tpu.memref_slice %arg11[%dma_start3A_68, %dma_start3A_69, %dma_start3A_76] : memref<2x3x800xi32, #tpu.memory_space<vmem>> -> memref<1x1x128xi32, #tpu.memory_space<vmem>>
    %dma_start3A_78 = tpu.memref_squeeze %dma_start3A_77 : memref<1x1x128xi32, #tpu.memory_space<vmem>> -> memref<128xi32, #tpu.memory_space<vmem>>
    %dma_start3A_79 = arith.constant 0 : i32
    %dma_start3A_80 = arith.constant 0 : i32
    %dma_start3A_81 = tpu.memref_slice %arg8[%dma_start3A_79, %dma_start3A_80] : memref<1000000x16xf32, #tpu.memory_space<hbm>> -> memref<1000000x16xf32, #tpu.memory_space<hbm>>
    tpu.enqueue_indirect_dma source(%dma_start3A_81 : memref<1000000x16xf32, #tpu.memory_space<hbm>>) target(%dma_start3A_75 : memref<128x16xf32, #tpu.memory_space<vmem>>) offsets(%dma_start3A_78 : memref<128xi32, #tpu.memory_space<vmem>>) semaphore(%arg13 : memref<!tpu.dma_semaphore, #tpu.memory_space<semaphore_mem>>)
    %dma_wait3A_82 = arith.constant 0 : i32
    %dma_wait3A_83 = arith.constant 2 : i32
    %dma_wait3A_84 = arith.constant 0 : i32
    %dma_wait3A_85 = arith.constant 2 : i32
    %dma_wait3A_86 = arith.constant 0 : i32
    %dma_wait3A_87 = arith.constant 0 : i32
    %dma_wait3A_88 = tpu.memref_slice %arg12[%dma_wait3A_84, %dma_wait3A_85, %dma_wait3A_86, %dma_wait3A_87] : memref<2x3x800x16xf32, #tpu.memory_space<vmem>> -> memref<1x1x128x16xf32, #tpu.memory_space<vmem>>
    %dma_wait3A_89 = tpu.memref_squeeze %dma_wait3A_88 : memref<1x1x128x16xf32, #tpu.memory_space<vmem>> -> memref<128x16xf32, #tpu.memory_space<vmem>>
    %dma_wait3A_90 = arith.constant 0 : i32
    %dma_wait3A_91 = tpu.memref_slice %arg11[%dma_wait3A_82, %dma_wait3A_83, %dma_wait3A_90] : memref<2x3x800xi32, #tpu.memory_space<vmem>> -> memref<1x1x128xi32, #tpu.memory_space<vmem>>
    %dma_wait3A_92 = tpu.memref_squeeze %dma_wait3A_91 : memref<1x1x128xi32, #tpu.memory_space<vmem>> -> memref<128xi32, #tpu.memory_space<vmem>>
    %dma_wait3A_93 = arith.constant 0 : i32
    %dma_wait3A_94 = arith.constant 0 : i32
    %dma_wait3A_95 = tpu.memref_slice %arg8[%dma_wait3A_93, %dma_wait3A_94] : memref<1000000x16xf32, #tpu.memory_space<hbm>> -> memref<1000000x16xf32, #tpu.memory_space<hbm>>
    tpu.wait_indirect_dma semaphore(%arg13 : memref<!tpu.dma_semaphore, #tpu.memory_space<semaphore_mem>>) src(%dma_wait3A_95 : memref<1000000x16xf32, #tpu.memory_space<hbm>>) dst(%dma_wait3A_89 : memref<128x16xf32, #tpu.memory_space<vmem>>)
    %run_scoped3A_96 = arith.constant 0 : i32
    %run_scoped3A_97 = arith.constant 2 : i32
    %run_scoped3A_98 = arith.constant 2 : i32
    "tpu.region"() ({
      %run_scoped3A_156 = tpu.sem_alloc : memref<!tpu.dma_semaphore, #tpu.memory_space<semaphore_mem>>
      %dma_start3A_157 = arith.constant 0 : i32
      %dma_start3A_158 = arith.constant 0 : i32
      %dma_start3A_159 = tpu.memref_slice %arg12[%run_scoped3A_96, %run_scoped3A_97, %dma_start3A_157, %dma_start3A_158] : memref<2x3x800x16xf32, #tpu.memory_space<vmem>> -> memref<1x1x128x16xf32, #tpu.memory_space<vmem>>
      %dma_start3A_160 = tpu.memref_squeeze %dma_start3A_159 : memref<1x1x128x16xf32, #tpu.memory_space<vmem>> -> memref<128x16xf32, #tpu.memory_space<vmem>>
      %dma_start3A_161 = arith.constant 0 : i32
      %dma_start3A_162 = tpu.memref_slice %arg9[%mul3A_2, %run_scoped3A_98, %dma_start3A_161] : memref<4096x3x16xf32, #tpu.memory_space<hbm>> -> memref<128x1x16xf32, #tpu.memory_space<hbm>>
      %dma_start3A_163 = tpu.memref_squeeze %dma_start3A_162 : memref<128x1x16xf32, #tpu.memory_space<hbm>> -> memref<128x16xf32, #tpu.memory_space<hbm>>
      %dma_start3A_164 = arith.constant 0 : i32
      %dma_start3A_165 = tpu.memref_slice %arg9[%mul3A_2, %run_scoped3A_98, %dma_start3A_164] : memref<4096x3x16xf32, #tpu.memory_space<hbm>> -> memref<128x1x16xf32, #tpu.memory_space<hbm>>
      %dma_start3A_166 = tpu.memref_squeeze %dma_start3A_165 : memref<128x1x16xf32, #tpu.memory_space<hbm>> -> memref<128x16xf32, #tpu.memory_space<hbm>>
      %dma_start3A_167 = arith.constant 0 : i32
      %dma_start3A_168 = arith.constant 0 : i32
      %dma_start3A_169 = tpu.memref_slice %arg12[%run_scoped3A_96, %run_scoped3A_97, %dma_start3A_167, %dma_start3A_168] : memref<2x3x800x16xf32, #tpu.memory_space<vmem>> -> memref<1x1x128x16xf32, #tpu.memory_space<vmem>>
      %dma_start3A_170 = tpu.memref_squeeze %dma_start3A_169 : memref<1x1x128x16xf32, #tpu.memory_space<vmem>> -> memref<128x16xf32, #tpu.memory_space<vmem>>
      tpu.enqueue_dma source(%dma_start3A_170 : memref<128x16xf32, #tpu.memory_space<vmem>>) target(%dma_start3A_166 : memref<128x16xf32, #tpu.memory_space<hbm>>) target_semaphore(%run_scoped3A_156 : memref<!tpu.dma_semaphore, #tpu.memory_space<semaphore_mem>>)
      %dma_wait3A_171 = arith.constant 0 : i32
      %dma_wait3A_172 = arith.constant 0 : i32
      %dma_wait3A_173 = tpu.memref_slice %arg12[%run_scoped3A_96, %run_scoped3A_97, %dma_wait3A_171, %dma_wait3A_172] : memref<2x3x800x16xf32, #tpu.memory_space<vmem>> -> memref<1x1x128x16xf32, #tpu.memory_space<vmem>>
      %dma_wait3A_174 = tpu.memref_squeeze %dma_wait3A_173 : memref<1x1x128x16xf32, #tpu.memory_space<vmem>> -> memref<128x16xf32, #tpu.memory_space<vmem>>
      %dma_wait3A_175 = arith.constant 0 : i32
      %dma_wait3A_176 = tpu.memref_slice %arg9[%mul3A_2, %run_scoped3A_98, %dma_wait3A_175] : memref<4096x3x16xf32, #tpu.memory_space<hbm>> -> memref<128x1x16xf32, #tpu.memory_space<hbm>>
      %dma_wait3A_177 = tpu.memref_squeeze %dma_wait3A_176 : memref<128x1x16xf32, #tpu.memory_space<hbm>> -> memref<128x16xf32, #tpu.memory_space<hbm>>
      %dma_wait3A_178 = arith.constant 0 : i32
      %dma_wait3A_179 = tpu.memref_slice %arg9[%mul3A_2, %run_scoped3A_98, %dma_wait3A_178] : memref<4096x3x16xf32, #tpu.memory_space<hbm>> -> memref<128x1x16xf32, #tpu.memory_space<hbm>>
      %dma_wait3A_180 = tpu.memref_squeeze %dma_wait3A_179 : memref<128x1x16xf32, #tpu.memory_space<hbm>> -> memref<128x16xf32, #tpu.memory_space<hbm>>
      %dma_wait3A_181 = arith.constant 0 : i32
      %dma_wait3A_182 = arith.constant 0 : i32
      %dma_wait3A_183 = tpu.memref_slice %arg12[%run_scoped3A_96, %run_scoped3A_97, %dma_wait3A_181, %dma_wait3A_182] : memref<2x3x800x16xf32, #tpu.memory_space<vmem>> -> memref<1x1x128x16xf32, #tpu.memory_space<vmem>>
      %dma_wait3A_184 = tpu.memref_squeeze %dma_wait3A_183 : memref<1x1x128x16xf32, #tpu.memory_space<vmem>> -> memref<128x16xf32, #tpu.memory_space<vmem>>
      tpu.wait_dma2 semaphore(%run_scoped3A_156 : memref<!tpu.dma_semaphore, #tpu.memory_space<semaphore_mem>>) src(%dma_wait3A_184 : memref<128x16xf32, #tpu.memory_space<vmem>>) dst(%dma_wait3A_180 : memref<128x16xf32, #tpu.memory_space<hbm>>)
      tpu.yield
    }) : () -> ()
    %mul3A_99 = arith.constant 25600 : i32
    %mul3A_100 = arith.muli %add3A, %mul3A_99 : i32
    %add3A_101 = arith.constant 0 : i32
    %add3A_102 = arith.addi %mul3A_100, %add3A_101 : i32
    %run_scoped3A_103 = arith.constant 0 : i32
    %run_scoped3A_104 = arith.constant 0 : i32
    "tpu.region"() ({
      %run_scoped3A_156 = tpu.sem_alloc : memref<!tpu.dma_semaphore, #tpu.memory_space<semaphore_mem>>
      %dma_start3A_157 = arith.constant 0 : i32
      %dma_start3A_158 = tpu.memref_slice %arg11[%run_scoped3A_103, %run_scoped3A_104, %dma_start3A_157] : memref<2x3x800xi32, #tpu.memory_space<vmem>> -> memref<1x1x800xi32, #tpu.memory_space<vmem>>
      %dma_start3A_159 = tpu.memref_squeeze %dma_start3A_158 : memref<1x1x800xi32, #tpu.memory_space<vmem>> -> memref<800xi32, #tpu.memory_space<vmem>>
      %dma_start3A_160 = tpu.memref_slice %arg5[%add3A_102] : memref<819200xi32, #tpu.memory_space<hbm>> -> memref<800xi32, #tpu.memory_space<hbm>>
      %dma_start3A_161 = arith.constant 0 : i32
      %dma_start3A_162 = tpu.memref_slice %arg11[%run_scoped3A_103, %run_scoped3A_104, %dma_start3A_161] : memref<2x3x800xi32, #tpu.memory_space<vmem>> -> memref<1x1x800xi32, #tpu.memory_space<vmem>>
      %dma_start3A_163 = tpu.memref_squeeze %dma_start3A_162 : memref<1x1x800xi32, #tpu.memory_space<vmem>> -> memref<800xi32, #tpu.memory_space<vmem>>
      %dma_start3A_164 = tpu.memref_slice %arg5[%add3A_102] : memref<819200xi32, #tpu.memory_space<hbm>> -> memref<800xi32, #tpu.memory_space<hbm>>
      tpu.enqueue_dma source(%dma_start3A_164 : memref<800xi32, #tpu.memory_space<hbm>>) target(%dma_start3A_163 : memref<800xi32, #tpu.memory_space<vmem>>) target_semaphore(%run_scoped3A_156 : memref<!tpu.dma_semaphore, #tpu.memory_space<semaphore_mem>>)
      %dma_wait3A_165 = arith.constant 0 : i32
      %dma_wait3A_166 = tpu.memref_slice %arg11[%run_scoped3A_103, %run_scoped3A_104, %dma_wait3A_165] : memref<2x3x800xi32, #tpu.memory_space<vmem>> -> memref<1x1x800xi32, #tpu.memory_space<vmem>>
      %dma_wait3A_167 = tpu.memref_squeeze %dma_wait3A_166 : memref<1x1x800xi32, #tpu.memory_space<vmem>> -> memref<800xi32, #tpu.memory_space<vmem>>
      %dma_wait3A_168 = tpu.memref_slice %arg5[%add3A_102] : memref<819200xi32, #tpu.memory_space<hbm>> -> memref<800xi32, #tpu.memory_space<hbm>>
      %dma_wait3A_169 = arith.constant 0 : i32
      %dma_wait3A_170 = tpu.memref_slice %arg11[%run_scoped3A_103, %run_scoped3A_104, %dma_wait3A_169] : memref<2x3x800xi32, #tpu.memory_space<vmem>> -> memref<1x1x800xi32, #tpu.memory_space<vmem>>
      %dma_wait3A_171 = tpu.memref_squeeze %dma_wait3A_170 : memref<1x1x800xi32, #tpu.memory_space<vmem>> -> memref<800xi32, #tpu.memory_space<vmem>>
      %dma_wait3A_172 = tpu.memref_slice %arg5[%add3A_102] : memref<819200xi32, #tpu.memory_space<hbm>> -> memref<800xi32, #tpu.memory_space<hbm>>
      tpu.wait_dma2 semaphore(%run_scoped3A_156 : memref<!tpu.dma_semaphore, #tpu.memory_space<semaphore_mem>>) src(%dma_wait3A_172 : memref<800xi32, #tpu.memory_space<hbm>>) dst(%dma_wait3A_171 : memref<800xi32, #tpu.memory_space<vmem>>)
      tpu.yield
    }) : () -> ()
    %dma_start3A_105 = arith.constant 0 : i32
    %dma_start3A_106 = arith.constant 0 : i32
    %dma_start3A_107 = arith.constant 0 : i32
    %dma_start3A_108 = arith.constant 0 : i32
    %dma_start3A_109 = arith.constant 0 : i32
    %dma_start3A_110 = arith.constant 0 : i32
    %dma_start3A_111 = tpu.memref_slice %arg12[%dma_start3A_107, %dma_start3A_108, %dma_start3A_109, %dma_start3A_110] : memref<2x3x800x16xf32, #tpu.memory_space<vmem>> -> memref<1x1x800x16xf32, #tpu.memory_space<vmem>>
    %dma_start3A_112 = tpu.memref_squeeze %dma_start3A_111 : memref<1x1x800x16xf32, #tpu.memory_space<vmem>> -> memref<800x16xf32, #tpu.memory_space<vmem>>
    %dma_start3A_113 = arith.constant 0 : i32
    %dma_start3A_114 = tpu.memref_slice %arg11[%dma_start3A_105, %dma_start3A_106, %dma_start3A_113] : memref<2x3x800xi32, #tpu.memory_space<vmem>> -> memref<1x1x800xi32, #tpu.memory_space<vmem>>
    %dma_start3A_115 = tpu.memref_squeeze %dma_start3A_114 : memref<1x1x800xi32, #tpu.memory_space<vmem>> -> memref<800xi32, #tpu.memory_space<vmem>>
    %dma_start3A_116 = arith.constant 0 : i32
    %dma_start3A_117 = arith.constant 0 : i32
    %dma_start3A_118 = tpu.memref_slice %arg8[%dma_start3A_116, %dma_start3A_117] : memref<1000000x16xf32, #tpu.memory_space<hbm>> -> memref<1000000x16xf32, #tpu.memory_space<hbm>>
    tpu.enqueue_indirect_dma source(%dma_start3A_118 : memref<1000000x16xf32, #tpu.memory_space<hbm>>) target(%dma_start3A_112 : memref<800x16xf32, #tpu.memory_space<vmem>>) offsets(%dma_start3A_115 : memref<800xi32, #tpu.memory_space<vmem>>) semaphore(%arg13 : memref<!tpu.dma_semaphore, #tpu.memory_space<semaphore_mem>>)
    %run_scoped3A_119 = arith.constant 0 : i32
    %run_scoped3A_120 = arith.constant 1 : i32
    "tpu.region"() ({
      %run_scoped3A_156 = tpu.sem_alloc : memref<!tpu.dma_semaphore, #tpu.memory_space<semaphore_mem>>
      %dma_start3A_157 = arith.constant 0 : i32
      %dma_start3A_158 = tpu.memref_slice %arg11[%run_scoped3A_119, %run_scoped3A_120, %dma_start3A_157] : memref<2x3x800xi32, #tpu.memory_space<vmem>> -> memref<1x1x800xi32, #tpu.memory_space<vmem>>
      %dma_start3A_159 = tpu.memref_squeeze %dma_start3A_158 : memref<1x1x800xi32, #tpu.memory_space<vmem>> -> memref<800xi32, #tpu.memory_space<vmem>>
      %dma_start3A_160 = tpu.memref_slice %arg6[%add3A_102] : memref<819200xi32, #tpu.memory_space<hbm>> -> memref<800xi32, #tpu.memory_space<hbm>>
      %dma_start3A_161 = arith.constant 0 : i32
      %dma_start3A_162 = tpu.memref_slice %arg11[%run_scoped3A_119, %run_scoped3A_120, %dma_start3A_161] : memref<2x3x800xi32, #tpu.memory_space<vmem>> -> memref<1x1x800xi32, #tpu.memory_space<vmem>>
      %dma_start3A_163 = tpu.memref_squeeze %dma_start3A_162 : memref<1x1x800xi32, #tpu.memory_space<vmem>> -> memref<800xi32, #tpu.memory_space<vmem>>
      %dma_start3A_164 = tpu.memref_slice %arg6[%add3A_102] : memref<819200xi32, #tpu.memory_space<hbm>> -> memref<800xi32, #tpu.memory_space<hbm>>
      tpu.enqueue_dma source(%dma_start3A_164 : memref<800xi32, #tpu.memory_space<hbm>>) target(%dma_start3A_163 : memref<800xi32, #tpu.memory_space<vmem>>) target_semaphore(%run_scoped3A_156 : memref<!tpu.dma_semaphore, #tpu.memory_space<semaphore_mem>>)
      %dma_wait3A_165 = arith.constant 0 : i32
      %dma_wait3A_166 = tpu.memref_slice %arg11[%run_scoped3A_119, %run_scoped3A_120, %dma_wait3A_165] : memref<2x3x800xi32, #tpu.memory_space<vmem>> -> memref<1x1x800xi32, #tpu.memory_space<vmem>>
      %dma_wait3A_167 = tpu.memref_squeeze %dma_wait3A_166 : memref<1x1x800xi32, #tpu.memory_space<vmem>> -> memref<800xi32, #tpu.memory_space<vmem>>
      %dma_wait3A_168 = tpu.memref_slice %arg6[%add3A_102] : memref<819200xi32, #tpu.memory_space<hbm>> -> memref<800xi32, #tpu.memory_space<hbm>>
      %dma_wait3A_169 = arith.constant 0 : i32
      %dma_wait3A_170 = tpu.memref_slice %arg11[%run_scoped3A_119, %run_scoped3A_120, %dma_wait3A_169] : memref<2x3x800xi32, #tpu.memory_space<vmem>> -> memref<1x1x800xi32, #tpu.memory_space<vmem>>
      %dma_wait3A_171 = tpu.memref_squeeze %dma_wait3A_170 : memref<1x1x800xi32, #tpu.memory_space<vmem>> -> memref<800xi32, #tpu.memory_space<vmem>>
      %dma_wait3A_172 = tpu.memref_slice %arg6[%add3A_102] : memref<819200xi32, #tpu.memory_space<hbm>> -> memref<800xi32, #tpu.memory_space<hbm>>
      tpu.wait_dma2 semaphore(%run_scoped3A_156 : memref<!tpu.dma_semaphore, #tpu.memory_space<semaphore_mem>>) src(%dma_wait3A_172 : memref<800xi32, #tpu.memory_space<hbm>>) dst(%dma_wait3A_171 : memref<800xi32, #tpu.memory_space<vmem>>)
      tpu.yield
    }) : () -> ()
    %dma_start3A_121 = arith.constant 0 : i32
    %dma_start3A_122 = arith.constant 1 : i32
    %dma_start3A_123 = arith.constant 0 : i32
    %dma_start3A_124 = arith.constant 1 : i32
    %dma_start3A_125 = arith.constant 0 : i32
    %dma_start3A_126 = arith.constant 0 : i32
    %dma_start3A_127 = tpu.memref_slice %arg12[%dma_start3A_123, %dma_start3A_124, %dma_start3A_125, %dma_start3A_126] : memref<2x3x800x16xf32, #tpu.memory_space<vmem>> -> memref<1x1x800x16xf32, #tpu.memory_space<vmem>>
    %dma_start3A_128 = tpu.memref_squeeze %dma_start3A_127 : memref<1x1x800x16xf32, #tpu.memory_space<vmem>> -> memref<800x16xf32, #tpu.memory_space<vmem>>
    %dma_start3A_129 = arith.constant 0 : i32
    %dma_start3A_130 = tpu.memref_slice %arg11[%dma_start3A_121, %dma_start3A_122, %dma_start3A_129] : memref<2x3x800xi32, #tpu.memory_space<vmem>> -> memref<1x1x800xi32, #tpu.memory_space<vmem>>
    %dma_start3A_131 = tpu.memref_squeeze %dma_start3A_130 : memref<1x1x800xi32, #tpu.memory_space<vmem>> -> memref<800xi32, #tpu.memory_space<vmem>>
    %dma_start3A_132 = arith.constant 0 : i32
    %dma_start3A_133 = arith.constant 0 : i32
    %dma_start3A_134 = tpu.memref_slice %arg8[%dma_start3A_132, %dma_start3A_133] : memref<1000000x16xf32, #tpu.memory_space<hbm>> -> memref<1000000x16xf32, #tpu.memory_space<hbm>>
    tpu.enqueue_indirect_dma source(%dma_start3A_134 : memref<1000000x16xf32, #tpu.memory_space<hbm>>) target(%dma_start3A_128 : memref<800x16xf32, #tpu.memory_space<vmem>>) offsets(%dma_start3A_131 : memref<800xi32, #tpu.memory_space<vmem>>) semaphore(%arg13 : memref<!tpu.dma_semaphore, #tpu.memory_space<semaphore_mem>>)
    %run_scoped3A_135 = arith.constant 0 : i32
    %run_scoped3A_136 = arith.constant 2 : i32
    "tpu.region"() ({
      %run_scoped3A_156 = tpu.sem_alloc : memref<!tpu.dma_semaphore, #tpu.memory_space<semaphore_mem>>
      %dma_start3A_157 = arith.constant 0 : i32
      %dma_start3A_158 = tpu.memref_slice %arg11[%run_scoped3A_135, %run_scoped3A_136, %dma_start3A_157] : memref<2x3x800xi32, #tpu.memory_space<vmem>> -> memref<1x1x800xi32, #tpu.memory_space<vmem>>
      %dma_start3A_159 = tpu.memref_squeeze %dma_start3A_158 : memref<1x1x800xi32, #tpu.memory_space<vmem>> -> memref<800xi32, #tpu.memory_space<vmem>>
      %dma_start3A_160 = tpu.memref_slice %arg7[%add3A_102] : memref<819200xi32, #tpu.memory_space<hbm>> -> memref<800xi32, #tpu.memory_space<hbm>>
      %dma_start3A_161 = arith.constant 0 : i32
      %dma_start3A_162 = tpu.memref_slice %arg11[%run_scoped3A_135, %run_scoped3A_136, %dma_start3A_161] : memref<2x3x800xi32, #tpu.memory_space<vmem>> -> memref<1x1x800xi32, #tpu.memory_space<vmem>>
      %dma_start3A_163 = tpu.memref_squeeze %dma_start3A_162 : memref<1x1x800xi32, #tpu.memory_space<vmem>> -> memref<800xi32, #tpu.memory_space<vmem>>
      %dma_start3A_164 = tpu.memref_slice %arg7[%add3A_102] : memref<819200xi32, #tpu.memory_space<hbm>> -> memref<800xi32, #tpu.memory_space<hbm>>
      tpu.enqueue_dma source(%dma_start3A_164 : memref<800xi32, #tpu.memory_space<hbm>>) target(%dma_start3A_163 : memref<800xi32, #tpu.memory_space<vmem>>) target_semaphore(%run_scoped3A_156 : memref<!tpu.dma_semaphore, #tpu.memory_space<semaphore_mem>>)
      %dma_wait3A_165 = arith.constant 0 : i32
      %dma_wait3A_166 = tpu.memref_slice %arg11[%run_scoped3A_135, %run_scoped3A_136, %dma_wait3A_165] : memref<2x3x800xi32, #tpu.memory_space<vmem>> -> memref<1x1x800xi32, #tpu.memory_space<vmem>>
      %dma_wait3A_167 = tpu.memref_squeeze %dma_wait3A_166 : memref<1x1x800xi32, #tpu.memory_space<vmem>> -> memref<800xi32, #tpu.memory_space<vmem>>
      %dma_wait3A_168 = tpu.memref_slice %arg7[%add3A_102] : memref<819200xi32, #tpu.memory_space<hbm>> -> memref<800xi32, #tpu.memory_space<hbm>>
      %dma_wait3A_169 = arith.constant 0 : i32
      %dma_wait3A_170 = tpu.memref_slice %arg11[%run_scoped3A_135, %run_scoped3A_136, %dma_wait3A_169] : memref<2x3x800xi32, #tpu.memory_space<vmem>> -> memref<1x1x800xi32, #tpu.memory_space<vmem>>
      %dma_wait3A_171 = tpu.memref_squeeze %dma_wait3A_170 : memref<1x1x800xi32, #tpu.memory_space<vmem>> -> memref<800xi32, #tpu.memory_space<vmem>>
      %dma_wait3A_172 = tpu.memref_slice %arg7[%add3A_102] : memref<819200xi32, #tpu.memory_space<hbm>> -> memref<800xi32, #tpu.memory_space<hbm>>
      tpu.wait_dma2 semaphore(%run_scoped3A_156 : memref<!tpu.dma_semaphore, #tpu.memory_space<semaphore_mem>>) src(%dma_wait3A_172 : memref<800xi32, #tpu.memory_space<hbm>>) dst(%dma_wait3A_171 : memref<800xi32, #tpu.memory_space<vmem>>)
      tpu.yield
    }) : () -> ()
    %dma_start3A_137 = arith.constant 0 : i32
    %dma_start3A_138 = arith.constant 2 : i32
    %dma_start3A_139 = arith.constant 0 : i32
    %dma_start3A_140 = arith.constant 2 : i32
    %dma_start3A_141 = arith.constant 0 : i32
    %dma_start3A_142 = arith.constant 0 : i32
    %dma_start3A_143 = tpu.memref_slice %arg12[%dma_start3A_139, %dma_start3A_140, %dma_start3A_141, %dma_start3A_142] : memref<2x3x800x16xf32, #tpu.memory_space<vmem>> -> memref<1x1x800x16xf32, #tpu.memory_space<vmem>>
    %dma_start3A_144 = tpu.memref_squeeze %dma_start3A_143 : memref<1x1x800x16xf32, #tpu.memory_space<vmem>> -> memref<800x16xf32, #tpu.memory_space<vmem>>
    %dma_start3A_145 = arith.constant 0 : i32
    %dma_start3A_146 = tpu.memref_slice %arg11[%dma_start3A_137, %dma_start3A_138, %dma_start3A_145] : memref<2x3x800xi32, #tpu.memory_space<vmem>> -> memref<1x1x800xi32, #tpu.memory_space<vmem>>
    %dma_start3A_147 = tpu.memref_squeeze %dma_start3A_146 : memref<1x1x800xi32, #tpu.memory_space<vmem>> -> memref<800xi32, #tpu.memory_space<vmem>>
    %dma_start3A_148 = arith.constant 0 : i32
    %dma_start3A_149 = arith.constant 0 : i32
    %dma_start3A_150 = tpu.memref_slice %arg8[%dma_start3A_148, %dma_start3A_149] : memref<1000000x16xf32, #tpu.memory_space<hbm>> -> memref<1000000x16xf32, #tpu.memory_space<hbm>>
    tpu.enqueue_indirect_dma source(%dma_start3A_150 : memref<1000000x16xf32, #tpu.memory_space<hbm>>) target(%dma_start3A_144 : memref<800x16xf32, #tpu.memory_space<vmem>>) offsets(%dma_start3A_147 : memref<800xi32, #tpu.memory_space<vmem>>) semaphore(%arg13 : memref<!tpu.dma_semaphore, #tpu.memory_space<semaphore_mem>>)
    %scan3A = arith.constant 0 : i32
    %scan3A_151 = arith.constant 0 : i32
    %scan3A_152 = arith.constant 16 : i32
    %scan3A_153 = arith.addi %scan3A_151, %scan3A_152 : i32
    %scan3A_154 = arith.constant 1 : i32
    scf.for %scan3A_156 = %scan3A_151 to %scan3A_153 step %scan3A_154  : i32 {
      %mul3A_157 = arith.constant 2 : i32
      %mul3A_158 = arith.muli %mul3A_157, %scan3A_156 : i32
      %add3A_159 = arith.constant 1 : i32
      %add3A_160 = arith.addi %mul3A_158, %add3A_159 : i32
      %mul3A_161 = arith.constant 25600 : i32
      %mul3A_162 = arith.muli %add3A, %mul3A_161 : i32
      %mul3A_163 = arith.constant 800 : i32
      %mul3A_164 = arith.muli %add3A_160, %mul3A_163 : i32
      %add3A_165 = arith.addi %mul3A_162, %mul3A_164 : i32
      %run_scoped3A_166 = arith.constant 1 : i32
      %run_scoped3A_167 = arith.constant 0 : i32
      "tpu.region"() ({
        %run_scoped3A_332 = tpu.sem_alloc : memref<!tpu.dma_semaphore, #tpu.memory_space<semaphore_mem>>
        %dma_start3A_333 = arith.constant 0 : i32
        %dma_start3A_334 = tpu.memref_slice %arg11[%run_scoped3A_166, %run_scoped3A_167, %dma_start3A_333] : memref<2x3x800xi32, #tpu.memory_space<vmem>> -> memref<1x1x800xi32, #tpu.memory_space<vmem>>
        %dma_start3A_335 = tpu.memref_squeeze %dma_start3A_334 : memref<1x1x800xi32, #tpu.memory_space<vmem>> -> memref<800xi32, #tpu.memory_space<vmem>>
        %dma_start3A_336 = tpu.memref_slice %arg5[%add3A_165] : memref<819200xi32, #tpu.memory_space<hbm>> -> memref<800xi32, #tpu.memory_space<hbm>>
        %dma_start3A_337 = arith.constant 0 : i32
        %dma_start3A_338 = tpu.memref_slice %arg11[%run_scoped3A_166, %run_scoped3A_167, %dma_start3A_337] : memref<2x3x800xi32, #tpu.memory_space<vmem>> -> memref<1x1x800xi32, #tpu.memory_space<vmem>>
        %dma_start3A_339 = tpu.memref_squeeze %dma_start3A_338 : memref<1x1x800xi32, #tpu.memory_space<vmem>> -> memref<800xi32, #tpu.memory_space<vmem>>
        %dma_start3A_340 = tpu.memref_slice %arg5[%add3A_165] : memref<819200xi32, #tpu.memory_space<hbm>> -> memref<800xi32, #tpu.memory_space<hbm>>
        tpu.enqueue_dma source(%dma_start3A_340 : memref<800xi32, #tpu.memory_space<hbm>>) target(%dma_start3A_339 : memref<800xi32, #tpu.memory_space<vmem>>) target_semaphore(%run_scoped3A_332 : memref<!tpu.dma_semaphore, #tpu.memory_space<semaphore_mem>>)
        %dma_wait3A_341 = arith.constant 0 : i32
        %dma_wait3A_342 = tpu.memref_slice %arg11[%run_scoped3A_166, %run_scoped3A_167, %dma_wait3A_341] : memref<2x3x800xi32, #tpu.memory_space<vmem>> -> memref<1x1x800xi32, #tpu.memory_space<vmem>>
        %dma_wait3A_343 = tpu.memref_squeeze %dma_wait3A_342 : memref<1x1x800xi32, #tpu.memory_space<vmem>> -> memref<800xi32, #tpu.memory_space<vmem>>
        %dma_wait3A_344 = tpu.memref_slice %arg5[%add3A_165] : memref<819200xi32, #tpu.memory_space<hbm>> -> memref<800xi32, #tpu.memory_space<hbm>>
        %dma_wait3A_345 = arith.constant 0 : i32
        %dma_wait3A_346 = tpu.memref_slice %arg11[%run_scoped3A_166, %run_scoped3A_167, %dma_wait3A_345] : memref<2x3x800xi32, #tpu.memory_space<vmem>> -> memref<1x1x800xi32, #tpu.memory_space<vmem>>
        %dma_wait3A_347 = tpu.memref_squeeze %dma_wait3A_346 : memref<1x1x800xi32, #tpu.memory_space<vmem>> -> memref<800xi32, #tpu.memory_space<vmem>>
        %dma_wait3A_348 = tpu.memref_slice %arg5[%add3A_165] : memref<819200xi32, #tpu.memory_space<hbm>> -> memref<800xi32, #tpu.memory_space<hbm>>
        tpu.wait_dma2 semaphore(%run_scoped3A_332 : memref<!tpu.dma_semaphore, #tpu.memory_space<semaphore_mem>>) src(%dma_wait3A_348 : memref<800xi32, #tpu.memory_space<hbm>>) dst(%dma_wait3A_347 : memref<800xi32, #tpu.memory_space<vmem>>)
        tpu.yield
      }) : () -> ()
      %dma_start3A_168 = arith.constant 1 : i32
      %dma_start3A_169 = arith.constant 0 : i32
      %dma_start3A_170 = arith.constant 1 : i32
      %dma_start3A_171 = arith.constant 0 : i32
      %dma_start3A_172 = arith.constant 0 : i32
      %dma_start3A_173 = arith.constant 0 : i32
      %dma_start3A_174 = tpu.memref_slice %arg12[%dma_start3A_170, %dma_start3A_171, %dma_start3A_172, %dma_start3A_173] : memref<2x3x800x16xf32, #tpu.memory_space<vmem>> -> memref<1x1x800x16xf32, #tpu.memory_space<vmem>>
      %dma_start3A_175 = tpu.memref_squeeze %dma_start3A_174 : memref<1x1x800x16xf32, #tpu.memory_space<vmem>> -> memref<800x16xf32, #tpu.memory_space<vmem>>
      %dma_start3A_176 = arith.constant 0 : i32
      %dma_start3A_177 = tpu.memref_slice %arg11[%dma_start3A_168, %dma_start3A_169, %dma_start3A_176] : memref<2x3x800xi32, #tpu.memory_space<vmem>> -> memref<1x1x800xi32, #tpu.memory_space<vmem>>
      %dma_start3A_178 = tpu.memref_squeeze %dma_start3A_177 : memref<1x1x800xi32, #tpu.memory_space<vmem>> -> memref<800xi32, #tpu.memory_space<vmem>>
      %dma_start3A_179 = arith.constant 0 : i32
      %dma_start3A_180 = arith.constant 0 : i32
      %dma_start3A_181 = tpu.memref_slice %arg8[%dma_start3A_179, %dma_start3A_180] : memref<1000000x16xf32, #tpu.memory_space<hbm>> -> memref<1000000x16xf32, #tpu.memory_space<hbm>>
      tpu.enqueue_indirect_dma source(%dma_start3A_181 : memref<1000000x16xf32, #tpu.memory_space<hbm>>) target(%dma_start3A_175 : memref<800x16xf32, #tpu.memory_space<vmem>>) offsets(%dma_start3A_178 : memref<800xi32, #tpu.memory_space<vmem>>) semaphore(%arg13 : memref<!tpu.dma_semaphore, #tpu.memory_space<semaphore_mem>>)
      %run_scoped3A_182 = arith.constant 1 : i32
      %run_scoped3A_183 = arith.constant 1 : i32
      "tpu.region"() ({
        %run_scoped3A_332 = tpu.sem_alloc : memref<!tpu.dma_semaphore, #tpu.memory_space<semaphore_mem>>
        %dma_start3A_333 = arith.constant 0 : i32
        %dma_start3A_334 = tpu.memref_slice %arg11[%run_scoped3A_182, %run_scoped3A_183, %dma_start3A_333] : memref<2x3x800xi32, #tpu.memory_space<vmem>> -> memref<1x1x800xi32, #tpu.memory_space<vmem>>
        %dma_start3A_335 = tpu.memref_squeeze %dma_start3A_334 : memref<1x1x800xi32, #tpu.memory_space<vmem>> -> memref<800xi32, #tpu.memory_space<vmem>>
        %dma_start3A_336 = tpu.memref_slice %arg6[%add3A_165] : memref<819200xi32, #tpu.memory_space<hbm>> -> memref<800xi32, #tpu.memory_space<hbm>>
        %dma_start3A_337 = arith.constant 0 : i32
        %dma_start3A_338 = tpu.memref_slice %arg11[%run_scoped3A_182, %run_scoped3A_183, %dma_start3A_337] : memref<2x3x800xi32, #tpu.memory_space<vmem>> -> memref<1x1x800xi32, #tpu.memory_space<vmem>>
        %dma_start3A_339 = tpu.memref_squeeze %dma_start3A_338 : memref<1x1x800xi32, #tpu.memory_space<vmem>> -> memref<800xi32, #tpu.memory_space<vmem>>
        %dma_start3A_340 = tpu.memref_slice %arg6[%add3A_165] : memref<819200xi32, #tpu.memory_space<hbm>> -> memref<800xi32, #tpu.memory_space<hbm>>
        tpu.enqueue_dma source(%dma_start3A_340 : memref<800xi32, #tpu.memory_space<hbm>>) target(%dma_start3A_339 : memref<800xi32, #tpu.memory_space<vmem>>) target_semaphore(%run_scoped3A_332 : memref<!tpu.dma_semaphore, #tpu.memory_space<semaphore_mem>>)
        %dma_wait3A_341 = arith.constant 0 : i32
        %dma_wait3A_342 = tpu.memref_slice %arg11[%run_scoped3A_182, %run_scoped3A_183, %dma_wait3A_341] : memref<2x3x800xi32, #tpu.memory_space<vmem>> -> memref<1x1x800xi32, #tpu.memory_space<vmem>>
        %dma_wait3A_343 = tpu.memref_squeeze %dma_wait3A_342 : memref<1x1x800xi32, #tpu.memory_space<vmem>> -> memref<800xi32, #tpu.memory_space<vmem>>
        %dma_wait3A_344 = tpu.memref_slice %arg6[%add3A_165] : memref<819200xi32, #tpu.memory_space<hbm>> -> memref<800xi32, #tpu.memory_space<hbm>>
        %dma_wait3A_345 = arith.constant 0 : i32
        %dma_wait3A_346 = tpu.memref_slice %arg11[%run_scoped3A_182, %run_scoped3A_183, %dma_wait3A_345] : memref<2x3x800xi32, #tpu.memory_space<vmem>> -> memref<1x1x800xi32, #tpu.memory_space<vmem>>
        %dma_wait3A_347 = tpu.memref_squeeze %dma_wait3A_346 : memref<1x1x800xi32, #tpu.memory_space<vmem>> -> memref<800xi32, #tpu.memory_space<vmem>>
        %dma_wait3A_348 = tpu.memref_slice %arg6[%add3A_165] : memref<819200xi32, #tpu.memory_space<hbm>> -> memref<800xi32, #tpu.memory_space<hbm>>
        tpu.wait_dma2 semaphore(%run_scoped3A_332 : memref<!tpu.dma_semaphore, #tpu.memory_space<semaphore_mem>>) src(%dma_wait3A_348 : memref<800xi32, #tpu.memory_space<hbm>>) dst(%dma_wait3A_347 : memref<800xi32, #tpu.memory_space<vmem>>)
        tpu.yield
      }) : () -> ()
      %dma_start3A_184 = arith.constant 1 : i32
      %dma_start3A_185 = arith.constant 1 : i32
      %dma_start3A_186 = arith.constant 1 : i32
      %dma_start3A_187 = arith.constant 1 : i32
      %dma_start3A_188 = arith.constant 0 : i32
      %dma_start3A_189 = arith.constant 0 : i32
      %dma_start3A_190 = tpu.memref_slice %arg12[%dma_start3A_186, %dma_start3A_187, %dma_start3A_188, %dma_start3A_189] : memref<2x3x800x16xf32, #tpu.memory_space<vmem>> -> memref<1x1x800x16xf32, #tpu.memory_space<vmem>>
      %dma_start3A_191 = tpu.memref_squeeze %dma_start3A_190 : memref<1x1x800x16xf32, #tpu.memory_space<vmem>> -> memref<800x16xf32, #tpu.memory_space<vmem>>
      %dma_start3A_192 = arith.constant 0 : i32
      %dma_start3A_193 = tpu.memref_slice %arg11[%dma_start3A_184, %dma_start3A_185, %dma_start3A_192] : memref<2x3x800xi32, #tpu.memory_space<vmem>> -> memref<1x1x800xi32, #tpu.memory_space<vmem>>
      %dma_start3A_194 = tpu.memref_squeeze %dma_start3A_193 : memref<1x1x800xi32, #tpu.memory_space<vmem>> -> memref<800xi32, #tpu.memory_space<vmem>>
      %dma_start3A_195 = arith.constant 0 : i32
      %dma_start3A_196 = arith.constant 0 : i32
      %dma_start3A_197 = tpu.memref_slice %arg8[%dma_start3A_195, %dma_start3A_196] : memref<1000000x16xf32, #tpu.memory_space<hbm>> -> memref<1000000x16xf32, #tpu.memory_space<hbm>>
      tpu.enqueue_indirect_dma source(%dma_start3A_197 : memref<1000000x16xf32, #tpu.memory_space<hbm>>) target(%dma_start3A_191 : memref<800x16xf32, #tpu.memory_space<vmem>>) offsets(%dma_start3A_194 : memref<800xi32, #tpu.memory_space<vmem>>) semaphore(%arg13 : memref<!tpu.dma_semaphore, #tpu.memory_space<semaphore_mem>>)
      %run_scoped3A_198 = arith.constant 1 : i32
      %run_scoped3A_199 = arith.constant 2 : i32
      "tpu.region"() ({
        %run_scoped3A_332 = tpu.sem_alloc : memref<!tpu.dma_semaphore, #tpu.memory_space<semaphore_mem>>
        %dma_start3A_333 = arith.constant 0 : i32
        %dma_start3A_334 = tpu.memref_slice %arg11[%run_scoped3A_198, %run_scoped3A_199, %dma_start3A_333] : memref<2x3x800xi32, #tpu.memory_space<vmem>> -> memref<1x1x800xi32, #tpu.memory_space<vmem>>
        %dma_start3A_335 = tpu.memref_squeeze %dma_start3A_334 : memref<1x1x800xi32, #tpu.memory_space<vmem>> -> memref<800xi32, #tpu.memory_space<vmem>>
        %dma_start3A_336 = tpu.memref_slice %arg7[%add3A_165] : memref<819200xi32, #tpu.memory_space<hbm>> -> memref<800xi32, #tpu.memory_space<hbm>>
        %dma_start3A_337 = arith.constant 0 : i32
        %dma_start3A_338 = tpu.memref_slice %arg11[%run_scoped3A_198, %run_scoped3A_199, %dma_start3A_337] : memref<2x3x800xi32, #tpu.memory_space<vmem>> -> memref<1x1x800xi32, #tpu.memory_space<vmem>>
        %dma_start3A_339 = tpu.memref_squeeze %dma_start3A_338 : memref<1x1x800xi32, #tpu.memory_space<vmem>> -> memref<800xi32, #tpu.memory_space<vmem>>
        %dma_start3A_340 = tpu.memref_slice %arg7[%add3A_165] : memref<819200xi32, #tpu.memory_space<hbm>> -> memref<800xi32, #tpu.memory_space<hbm>>
        tpu.enqueue_dma source(%dma_start3A_340 : memref<800xi32, #tpu.memory_space<hbm>>) target(%dma_start3A_339 : memref<800xi32, #tpu.memory_space<vmem>>) target_semaphore(%run_scoped3A_332 : memref<!tpu.dma_semaphore, #tpu.memory_space<semaphore_mem>>)
        %dma_wait3A_341 = arith.constant 0 : i32
        %dma_wait3A_342 = tpu.memref_slice %arg11[%run_scoped3A_198, %run_scoped3A_199, %dma_wait3A_341] : memref<2x3x800xi32, #tpu.memory_space<vmem>> -> memref<1x1x800xi32, #tpu.memory_space<vmem>>
        %dma_wait3A_343 = tpu.memref_squeeze %dma_wait3A_342 : memref<1x1x800xi32, #tpu.memory_space<vmem>> -> memref<800xi32, #tpu.memory_space<vmem>>
        %dma_wait3A_344 = tpu.memref_slice %arg7[%add3A_165] : memref<819200xi32, #tpu.memory_space<hbm>> -> memref<800xi32, #tpu.memory_space<hbm>>
        %dma_wait3A_345 = arith.constant 0 : i32
        %dma_wait3A_346 = tpu.memref_slice %arg11[%run_scoped3A_198, %run_scoped3A_199, %dma_wait3A_345] : memref<2x3x800xi32, #tpu.memory_space<vmem>> -> memref<1x1x800xi32, #tpu.memory_space<vmem>>
        %dma_wait3A_347 = tpu.memref_squeeze %dma_wait3A_346 : memref<1x1x800xi32, #tpu.memory_space<vmem>> -> memref<800xi32, #tpu.memory_space<vmem>>
        %dma_wait3A_348 = tpu.memref_slice %arg7[%add3A_165] : memref<819200xi32, #tpu.memory_space<hbm>> -> memref<800xi32, #tpu.memory_space<hbm>>
        tpu.wait_dma2 semaphore(%run_scoped3A_332 : memref<!tpu.dma_semaphore, #tpu.memory_space<semaphore_mem>>) src(%dma_wait3A_348 : memref<800xi32, #tpu.memory_space<hbm>>) dst(%dma_wait3A_347 : memref<800xi32, #tpu.memory_space<vmem>>)
        tpu.yield
      }) : () -> ()
      %dma_start3A_200 = arith.constant 1 : i32
      %dma_start3A_201 = arith.constant 2 : i32
      %dma_start3A_202 = arith.constant 1 : i32
      %dma_start3A_203 = arith.constant 2 : i32
      %dma_start3A_204 = arith.constant 0 : i32
      %dma_start3A_205 = arith.constant 0 : i32
      %dma_start3A_206 = tpu.memref_slice %arg12[%dma_start3A_202, %dma_start3A_203, %dma_start3A_204, %dma_start3A_205] : memref<2x3x800x16xf32, #tpu.memory_space<vmem>> -> memref<1x1x800x16xf32, #tpu.memory_space<vmem>>
      %dma_start3A_207 = tpu.memref_squeeze %dma_start3A_206 : memref<1x1x800x16xf32, #tpu.memory_space<vmem>> -> memref<800x16xf32, #tpu.memory_space<vmem>>
      %dma_start3A_208 = arith.constant 0 : i32
      %dma_start3A_209 = tpu.memref_slice %arg11[%dma_start3A_200, %dma_start3A_201, %dma_start3A_208] : memref<2x3x800xi32, #tpu.memory_space<vmem>> -> memref<1x1x800xi32, #tpu.memory_space<vmem>>
      %dma_start3A_210 = tpu.memref_squeeze %dma_start3A_209 : memref<1x1x800xi32, #tpu.memory_space<vmem>> -> memref<800xi32, #tpu.memory_space<vmem>>
      %dma_start3A_211 = arith.constant 0 : i32
      %dma_start3A_212 = arith.constant 0 : i32
      %dma_start3A_213 = tpu.memref_slice %arg8[%dma_start3A_211, %dma_start3A_212] : memref<1000000x16xf32, #tpu.memory_space<hbm>> -> memref<1000000x16xf32, #tpu.memory_space<hbm>>
      tpu.enqueue_indirect_dma source(%dma_start3A_213 : memref<1000000x16xf32, #tpu.memory_space<hbm>>) target(%dma_start3A_207 : memref<800x16xf32, #tpu.memory_space<vmem>>) offsets(%dma_start3A_210 : memref<800xi32, #tpu.memory_space<vmem>>) semaphore(%arg13 : memref<!tpu.dma_semaphore, #tpu.memory_space<semaphore_mem>>)
      %mul3A_214 = arith.constant 25600 : i32
      %mul3A_215 = arith.muli %add3A, %mul3A_214 : i32
      %mul3A_216 = arith.constant 800 : i32
      %mul3A_217 = arith.muli %mul3A_158, %mul3A_216 : i32
      %add3A_218 = arith.addi %mul3A_215, %mul3A_217 : i32
      %dma_wait3A_219 = arith.constant 0 : i32
      %dma_wait3A_220 = arith.constant 0 : i32
      %dma_wait3A_221 = arith.constant 0 : i32
      %dma_wait3A_222 = arith.constant 0 : i32
      %dma_wait3A_223 = arith.constant 0 : i32
      %dma_wait3A_224 = arith.constant 0 : i32
      %dma_wait3A_225 = tpu.memref_slice %arg12[%dma_wait3A_221, %dma_wait3A_222, %dma_wait3A_223, %dma_wait3A_224] : memref<2x3x800x16xf32, #tpu.memory_space<vmem>> -> memref<1x1x800x16xf32, #tpu.memory_space<vmem>>
      %dma_wait3A_226 = tpu.memref_squeeze %dma_wait3A_225 : memref<1x1x800x16xf32, #tpu.memory_space<vmem>> -> memref<800x16xf32, #tpu.memory_space<vmem>>
      %dma_wait3A_227 = arith.constant 0 : i32
      %dma_wait3A_228 = tpu.memref_slice %arg11[%dma_wait3A_219, %dma_wait3A_220, %dma_wait3A_227] : memref<2x3x800xi32, #tpu.memory_space<vmem>> -> memref<1x1x800xi32, #tpu.memory_space<vmem>>
      %dma_wait3A_229 = tpu.memref_squeeze %dma_wait3A_228 : memref<1x1x800xi32, #tpu.memory_space<vmem>> -> memref<800xi32, #tpu.memory_space<vmem>>
      %dma_wait3A_230 = arith.constant 0 : i32
      %dma_wait3A_231 = arith.constant 0 : i32
      %dma_wait3A_232 = tpu.memref_slice %arg8[%dma_wait3A_230, %dma_wait3A_231] : memref<1000000x16xf32, #tpu.memory_space<hbm>> -> memref<1000000x16xf32, #tpu.memory_space<hbm>>
      tpu.wait_indirect_dma semaphore(%arg13 : memref<!tpu.dma_semaphore, #tpu.memory_space<semaphore_mem>>) src(%dma_wait3A_232 : memref<1000000x16xf32, #tpu.memory_space<hbm>>) dst(%dma_wait3A_226 : memref<800x16xf32, #tpu.memory_space<vmem>>)
      %run_scoped3A_233 = arith.constant 0 : i32
      %run_scoped3A_234 = arith.constant 0 : i32
      %run_scoped3A_235 = arith.constant 0 : i32
      "tpu.region"() ({
        %run_scoped3A_332 = tpu.sem_alloc : memref<!tpu.dma_semaphore, #tpu.memory_space<semaphore_mem>>
        %dma_start3A_333 = arith.constant 0 : i32
        %dma_start3A_334 = arith.constant 0 : i32
        %dma_start3A_335 = tpu.memref_slice %arg12[%run_scoped3A_233, %run_scoped3A_234, %dma_start3A_333, %dma_start3A_334] : memref<2x3x800x16xf32, #tpu.memory_space<vmem>> -> memref<1x1x800x16xf32, #tpu.memory_space<vmem>>
        %dma_start3A_336 = tpu.memref_squeeze %dma_start3A_335 : memref<1x1x800x16xf32, #tpu.memory_space<vmem>> -> memref<800x16xf32, #tpu.memory_space<vmem>>
        %dma_start3A_337 = arith.constant 0 : i32
        %dma_start3A_338 = tpu.memref_slice %arg10[%add3A_218, %run_scoped3A_235, %dma_start3A_337] : memref<819200x3x16xf32, #tpu.memory_space<hbm>> -> memref<800x1x16xf32, #tpu.memory_space<hbm>>
        %dma_start3A_339 = tpu.memref_squeeze %dma_start3A_338 : memref<800x1x16xf32, #tpu.memory_space<hbm>> -> memref<800x16xf32, #tpu.memory_space<hbm>>
        %dma_start3A_340 = arith.constant 0 : i32
        %dma_start3A_341 = tpu.memref_slice %arg10[%add3A_218, %run_scoped3A_235, %dma_start3A_340] : memref<819200x3x16xf32, #tpu.memory_space<hbm>> -> memref<800x1x16xf32, #tpu.memory_space<hbm>>
        %dma_start3A_342 = tpu.memref_squeeze %dma_start3A_341 : memref<800x1x16xf32, #tpu.memory_space<hbm>> -> memref<800x16xf32, #tpu.memory_space<hbm>>
        %dma_start3A_343 = arith.constant 0 : i32
        %dma_start3A_344 = arith.constant 0 : i32
        %dma_start3A_345 = tpu.memref_slice %arg12[%run_scoped3A_233, %run_scoped3A_234, %dma_start3A_343, %dma_start3A_344] : memref<2x3x800x16xf32, #tpu.memory_space<vmem>> -> memref<1x1x800x16xf32, #tpu.memory_space<vmem>>
        %dma_start3A_346 = tpu.memref_squeeze %dma_start3A_345 : memref<1x1x800x16xf32, #tpu.memory_space<vmem>> -> memref<800x16xf32, #tpu.memory_space<vmem>>
        tpu.enqueue_dma source(%dma_start3A_346 : memref<800x16xf32, #tpu.memory_space<vmem>>) target(%dma_start3A_342 : memref<800x16xf32, #tpu.memory_space<hbm>>) target_semaphore(%run_scoped3A_332 : memref<!tpu.dma_semaphore, #tpu.memory_space<semaphore_mem>>)
        %dma_wait3A_347 = arith.constant 0 : i32
        %dma_wait3A_348 = arith.constant 0 : i32
        %dma_wait3A_349 = tpu.memref_slice %arg12[%run_scoped3A_233, %run_scoped3A_234, %dma_wait3A_347, %dma_wait3A_348] : memref<2x3x800x16xf32, #tpu.memory_space<vmem>> -> memref<1x1x800x16xf32, #tpu.memory_space<vmem>>
        %dma_wait3A_350 = tpu.memref_squeeze %dma_wait3A_349 : memref<1x1x800x16xf32, #tpu.memory_space<vmem>> -> memref<800x16xf32, #tpu.memory_space<vmem>>
        %dma_wait3A_351 = arith.constant 0 : i32
        %dma_wait3A_352 = tpu.memref_slice %arg10[%add3A_218, %run_scoped3A_235, %dma_wait3A_351] : memref<819200x3x16xf32, #tpu.memory_space<hbm>> -> memref<800x1x16xf32, #tpu.memory_space<hbm>>
        %dma_wait3A_353 = tpu.memref_squeeze %dma_wait3A_352 : memref<800x1x16xf32, #tpu.memory_space<hbm>> -> memref<800x16xf32, #tpu.memory_space<hbm>>
        %dma_wait3A_354 = arith.constant 0 : i32
        %dma_wait3A_355 = tpu.memref_slice %arg10[%add3A_218, %run_scoped3A_235, %dma_wait3A_354] : memref<819200x3x16xf32, #tpu.memory_space<hbm>> -> memref<800x1x16xf32, #tpu.memory_space<hbm>>
        %dma_wait3A_356 = tpu.memref_squeeze %dma_wait3A_355 : memref<800x1x16xf32, #tpu.memory_space<hbm>> -> memref<800x16xf32, #tpu.memory_space<hbm>>
        %dma_wait3A_357 = arith.constant 0 : i32
        %dma_wait3A_358 = arith.constant 0 : i32
        %dma_wait3A_359 = tpu.memref_slice %arg12[%run_scoped3A_233, %run_scoped3A_234, %dma_wait3A_357, %dma_wait3A_358] : memref<2x3x800x16xf32, #tpu.memory_space<vmem>> -> memref<1x1x800x16xf32, #tpu.memory_space<vmem>>
        %dma_wait3A_360 = tpu.memref_squeeze %dma_wait3A_359 : memref<1x1x800x16xf32, #tpu.memory_space<vmem>> -> memref<800x16xf32, #tpu.memory_space<vmem>>
        tpu.wait_dma2 semaphore(%run_scoped3A_332 : memref<!tpu.dma_semaphore, #tpu.memory_space<semaphore_mem>>) src(%dma_wait3A_360 : memref<800x16xf32, #tpu.memory_space<vmem>>) dst(%dma_wait3A_356 : memref<800x16xf32, #tpu.memory_space<hbm>>)
        tpu.yield
      }) : () -> ()
      %dma_wait3A_236 = arith.constant 0 : i32
      %dma_wait3A_237 = arith.constant 1 : i32
      %dma_wait3A_238 = arith.constant 0 : i32
      %dma_wait3A_239 = arith.constant 1 : i32
      %dma_wait3A_240 = arith.constant 0 : i32
      %dma_wait3A_241 = arith.constant 0 : i32
      %dma_wait3A_242 = tpu.memref_slice %arg12[%dma_wait3A_238, %dma_wait3A_239, %dma_wait3A_240, %dma_wait3A_241] : memref<2x3x800x16xf32, #tpu.memory_space<vmem>> -> memref<1x1x800x16xf32, #tpu.memory_space<vmem>>
      %dma_wait3A_243 = tpu.memref_squeeze %dma_wait3A_242 : memref<1x1x800x16xf32, #tpu.memory_space<vmem>> -> memref<800x16xf32, #tpu.memory_space<vmem>>
      %dma_wait3A_244 = arith.constant 0 : i32
      %dma_wait3A_245 = tpu.memref_slice %arg11[%dma_wait3A_236, %dma_wait3A_237, %dma_wait3A_244] : memref<2x3x800xi32, #tpu.memory_space<vmem>> -> memref<1x1x800xi32, #tpu.memory_space<vmem>>
      %dma_wait3A_246 = tpu.memref_squeeze %dma_wait3A_245 : memref<1x1x800xi32, #tpu.memory_space<vmem>> -> memref<800xi32, #tpu.memory_space<vmem>>
      %dma_wait3A_247 = arith.constant 0 : i32
      %dma_wait3A_248 = arith.constant 0 : i32
      %dma_wait3A_249 = tpu.memref_slice %arg8[%dma_wait3A_247, %dma_wait3A_248] : memref<1000000x16xf32, #tpu.memory_space<hbm>> -> memref<1000000x16xf32, #tpu.memory_space<hbm>>
      tpu.wait_indirect_dma semaphore(%arg13 : memref<!tpu.dma_semaphore, #tpu.memory_space<semaphore_mem>>) src(%dma_wait3A_249 : memref<1000000x16xf32, #tpu.memory_space<hbm>>) dst(%dma_wait3A_243 : memref<800x16xf32, #tpu.memory_space<vmem>>)
      %run_scoped3A_250 = arith.constant 0 : i32
      %run_scoped3A_251 = arith.constant 1 : i32
      %run_scoped3A_252 = arith.constant 1 : i32
      "tpu.region"() ({
        %run_scoped3A_332 = tpu.sem_alloc : memref<!tpu.dma_semaphore, #tpu.memory_space<semaphore_mem>>
        %dma_start3A_333 = arith.constant 0 : i32
        %dma_start3A_334 = arith.constant 0 : i32
        %dma_start3A_335 = tpu.memref_slice %arg12[%run_scoped3A_250, %run_scoped3A_251, %dma_start3A_333, %dma_start3A_334] : memref<2x3x800x16xf32, #tpu.memory_space<vmem>> -> memref<1x1x800x16xf32, #tpu.memory_space<vmem>>
        %dma_start3A_336 = tpu.memref_squeeze %dma_start3A_335 : memref<1x1x800x16xf32, #tpu.memory_space<vmem>> -> memref<800x16xf32, #tpu.memory_space<vmem>>
        %dma_start3A_337 = arith.constant 0 : i32
        %dma_start3A_338 = tpu.memref_slice %arg10[%add3A_218, %run_scoped3A_252, %dma_start3A_337] : memref<819200x3x16xf32, #tpu.memory_space<hbm>> -> memref<800x1x16xf32, #tpu.memory_space<hbm>>
        %dma_start3A_339 = tpu.memref_squeeze %dma_start3A_338 : memref<800x1x16xf32, #tpu.memory_space<hbm>> -> memref<800x16xf32, #tpu.memory_space<hbm>>
        %dma_start3A_340 = arith.constant 0 : i32
        %dma_start3A_341 = tpu.memref_slice %arg10[%add3A_218, %run_scoped3A_252, %dma_start3A_340] : memref<819200x3x16xf32, #tpu.memory_space<hbm>> -> memref<800x1x16xf32, #tpu.memory_space<hbm>>
        %dma_start3A_342 = tpu.memref_squeeze %dma_start3A_341 : memref<800x1x16xf32, #tpu.memory_space<hbm>> -> memref<800x16xf32, #tpu.memory_space<hbm>>
        %dma_start3A_343 = arith.constant 0 : i32
        %dma_start3A_344 = arith.constant 0 : i32
        %dma_start3A_345 = tpu.memref_slice %arg12[%run_scoped3A_250, %run_scoped3A_251, %dma_start3A_343, %dma_start3A_344] : memref<2x3x800x16xf32, #tpu.memory_space<vmem>> -> memref<1x1x800x16xf32, #tpu.memory_space<vmem>>
        %dma_start3A_346 = tpu.memref_squeeze %dma_start3A_345 : memref<1x1x800x16xf32, #tpu.memory_space<vmem>> -> memref<800x16xf32, #tpu.memory_space<vmem>>
        tpu.enqueue_dma source(%dma_start3A_346 : memref<800x16xf32, #tpu.memory_space<vmem>>) target(%dma_start3A_342 : memref<800x16xf32, #tpu.memory_space<hbm>>) target_semaphore(%run_scoped3A_332 : memref<!tpu.dma_semaphore, #tpu.memory_space<semaphore_mem>>)
        %dma_wait3A_347 = arith.constant 0 : i32
        %dma_wait3A_348 = arith.constant 0 : i32
        %dma_wait3A_349 = tpu.memref_slice %arg12[%run_scoped3A_250, %run_scoped3A_251, %dma_wait3A_347, %dma_wait3A_348] : memref<2x3x800x16xf32, #tpu.memory_space<vmem>> -> memref<1x1x800x16xf32, #tpu.memory_space<vmem>>
        %dma_wait3A_350 = tpu.memref_squeeze %dma_wait3A_349 : memref<1x1x800x16xf32, #tpu.memory_space<vmem>> -> memref<800x16xf32, #tpu.memory_space<vmem>>
        %dma_wait3A_351 = arith.constant 0 : i32
        %dma_wait3A_352 = tpu.memref_slice %arg10[%add3A_218, %run_scoped3A_252, %dma_wait3A_351] : memref<819200x3x16xf32, #tpu.memory_space<hbm>> -> memref<800x1x16xf32, #tpu.memory_space<hbm>>
        %dma_wait3A_353 = tpu.memref_squeeze %dma_wait3A_352 : memref<800x1x16xf32, #tpu.memory_space<hbm>> -> memref<800x16xf32, #tpu.memory_space<hbm>>
        %dma_wait3A_354 = arith.constant 0 : i32
        %dma_wait3A_355 = tpu.memref_slice %arg10[%add3A_218, %run_scoped3A_252, %dma_wait3A_354] : memref<819200x3x16xf32, #tpu.memory_space<hbm>> -> memref<800x1x16xf32, #tpu.memory_space<hbm>>
        %dma_wait3A_356 = tpu.memref_squeeze %dma_wait3A_355 : memref<800x1x16xf32, #tpu.memory_space<hbm>> -> memref<800x16xf32, #tpu.memory_space<hbm>>
        %dma_wait3A_357 = arith.constant 0 : i32
        %dma_wait3A_358 = arith.constant 0 : i32
        %dma_wait3A_359 = tpu.memref_slice %arg12[%run_scoped3A_250, %run_scoped3A_251, %dma_wait3A_357, %dma_wait3A_358] : memref<2x3x800x16xf32, #tpu.memory_space<vmem>> -> memref<1x1x800x16xf32, #tpu.memory_space<vmem>>
        %dma_wait3A_360 = tpu.memref_squeeze %dma_wait3A_359 : memref<1x1x800x16xf32, #tpu.memory_space<vmem>> -> memref<800x16xf32, #tpu.memory_space<vmem>>
        tpu.wait_dma2 semaphore(%run_scoped3A_332 : memref<!tpu.dma_semaphore, #tpu.memory_space<semaphore_mem>>) src(%dma_wait3A_360 : memref<800x16xf32, #tpu.memory_space<vmem>>) dst(%dma_wait3A_356 : memref<800x16xf32, #tpu.memory_space<hbm>>)
        tpu.yield
      }) : () -> ()
      %dma_wait3A_253 = arith.constant 0 : i32
      %dma_wait3A_254 = arith.constant 2 : i32
      %dma_wait3A_255 = arith.constant 0 : i32
      %dma_wait3A_256 = arith.constant 2 : i32
      %dma_wait3A_257 = arith.constant 0 : i32
      %dma_wait3A_258 = arith.constant 0 : i32
      %dma_wait3A_259 = tpu.memref_slice %arg12[%dma_wait3A_255, %dma_wait3A_256, %dma_wait3A_257, %dma_wait3A_258] : memref<2x3x800x16xf32, #tpu.memory_space<vmem>> -> memref<1x1x800x16xf32, #tpu.memory_space<vmem>>
      %dma_wait3A_260 = tpu.memref_squeeze %dma_wait3A_259 : memref<1x1x800x16xf32, #tpu.memory_space<vmem>> -> memref<800x16xf32, #tpu.memory_space<vmem>>
      %dma_wait3A_261 = arith.constant 0 : i32
      %dma_wait3A_262 = tpu.memref_slice %arg11[%dma_wait3A_253, %dma_wait3A_254, %dma_wait3A_261] : memref<2x3x800xi32, #tpu.memory_space<vmem>> -> memref<1x1x800xi32, #tpu.memory_space<vmem>>
      %dma_wait3A_263 = tpu.memref_squeeze %dma_wait3A_262 : memref<1x1x800xi32, #tpu.memory_space<vmem>> -> memref<800xi32, #tpu.memory_space<vmem>>
      %dma_wait3A_264 = arith.constant 0 : i32
      %dma_wait3A_265 = arith.constant 0 : i32
      %dma_wait3A_266 = tpu.memref_slice %arg8[%dma_wait3A_264, %dma_wait3A_265] : memref<1000000x16xf32, #tpu.memory_space<hbm>> -> memref<1000000x16xf32, #tpu.memory_space<hbm>>
      tpu.wait_indirect_dma semaphore(%arg13 : memref<!tpu.dma_semaphore, #tpu.memory_space<semaphore_mem>>) src(%dma_wait3A_266 : memref<1000000x16xf32, #tpu.memory_space<hbm>>) dst(%dma_wait3A_260 : memref<800x16xf32, #tpu.memory_space<vmem>>)
      %run_scoped3A_267 = arith.constant 0 : i32
      %run_scoped3A_268 = arith.constant 2 : i32
      %run_scoped3A_269 = arith.constant 2 : i32
      "tpu.region"() ({
        %run_scoped3A_332 = tpu.sem_alloc : memref<!tpu.dma_semaphore, #tpu.memory_space<semaphore_mem>>
        %dma_start3A_333 = arith.constant 0 : i32
        %dma_start3A_334 = arith.constant 0 : i32
        %dma_start3A_335 = tpu.memref_slice %arg12[%run_scoped3A_267, %run_scoped3A_268, %dma_start3A_333, %dma_start3A_334] : memref<2x3x800x16xf32, #tpu.memory_space<vmem>> -> memref<1x1x800x16xf32, #tpu.memory_space<vmem>>
        %dma_start3A_336 = tpu.memref_squeeze %dma_start3A_335 : memref<1x1x800x16xf32, #tpu.memory_space<vmem>> -> memref<800x16xf32, #tpu.memory_space<vmem>>
        %dma_start3A_337 = arith.constant 0 : i32
        %dma_start3A_338 = tpu.memref_slice %arg10[%add3A_218, %run_scoped3A_269, %dma_start3A_337] : memref<819200x3x16xf32, #tpu.memory_space<hbm>> -> memref<800x1x16xf32, #tpu.memory_space<hbm>>
        %dma_start3A_339 = tpu.memref_squeeze %dma_start3A_338 : memref<800x1x16xf32, #tpu.memory_space<hbm>> -> memref<800x16xf32, #tpu.memory_space<hbm>>
        %dma_start3A_340 = arith.constant 0 : i32
        %dma_start3A_341 = tpu.memref_slice %arg10[%add3A_218, %run_scoped3A_269, %dma_start3A_340] : memref<819200x3x16xf32, #tpu.memory_space<hbm>> -> memref<800x1x16xf32, #tpu.memory_space<hbm>>
        %dma_start3A_342 = tpu.memref_squeeze %dma_start3A_341 : memref<800x1x16xf32, #tpu.memory_space<hbm>> -> memref<800x16xf32, #tpu.memory_space<hbm>>
        %dma_start3A_343 = arith.constant 0 : i32
        %dma_start3A_344 = arith.constant 0 : i32
        %dma_start3A_345 = tpu.memref_slice %arg12[%run_scoped3A_267, %run_scoped3A_268, %dma_start3A_343, %dma_start3A_344] : memref<2x3x800x16xf32, #tpu.memory_space<vmem>> -> memref<1x1x800x16xf32, #tpu.memory_space<vmem>>
        %dma_start3A_346 = tpu.memref_squeeze %dma_start3A_345 : memref<1x1x800x16xf32, #tpu.memory_space<vmem>> -> memref<800x16xf32, #tpu.memory_space<vmem>>
        tpu.enqueue_dma source(%dma_start3A_346 : memref<800x16xf32, #tpu.memory_space<vmem>>) target(%dma_start3A_342 : memref<800x16xf32, #tpu.memory_space<hbm>>) target_semaphore(%run_scoped3A_332 : memref<!tpu.dma_semaphore, #tpu.memory_space<semaphore_mem>>)
        %dma_wait3A_347 = arith.constant 0 : i32
        %dma_wait3A_348 = arith.constant 0 : i32
        %dma_wait3A_349 = tpu.memref_slice %arg12[%run_scoped3A_267, %run_scoped3A_268, %dma_wait3A_347, %dma_wait3A_348] : memref<2x3x800x16xf32, #tpu.memory_space<vmem>> -> memref<1x1x800x16xf32, #tpu.memory_space<vmem>>
        %dma_wait3A_350 = tpu.memref_squeeze %dma_wait3A_349 : memref<1x1x800x16xf32, #tpu.memory_space<vmem>> -> memref<800x16xf32, #tpu.memory_space<vmem>>
        %dma_wait3A_351 = arith.constant 0 : i32
        %dma_wait3A_352 = tpu.memref_slice %arg10[%add3A_218, %run_scoped3A_269, %dma_wait3A_351] : memref<819200x3x16xf32, #tpu.memory_space<hbm>> -> memref<800x1x16xf32, #tpu.memory_space<hbm>>
        %dma_wait3A_353 = tpu.memref_squeeze %dma_wait3A_352 : memref<800x1x16xf32, #tpu.memory_space<hbm>> -> memref<800x16xf32, #tpu.memory_space<hbm>>
        %dma_wait3A_354 = arith.constant 0 : i32
        %dma_wait3A_355 = tpu.memref_slice %arg10[%add3A_218, %run_scoped3A_269, %dma_wait3A_354] : memref<819200x3x16xf32, #tpu.memory_space<hbm>> -> memref<800x1x16xf32, #tpu.memory_space<hbm>>
        %dma_wait3A_356 = tpu.memref_squeeze %dma_wait3A_355 : memref<800x1x16xf32, #tpu.memory_space<hbm>> -> memref<800x16xf32, #tpu.memory_space<hbm>>
        %dma_wait3A_357 = arith.constant 0 : i32
        %dma_wait3A_358 = arith.constant 0 : i32
        %dma_wait3A_359 = tpu.memref_slice %arg12[%run_scoped3A_267, %run_scoped3A_268, %dma_wait3A_357, %dma_wait3A_358] : memref<2x3x800x16xf32, #tpu.memory_space<vmem>> -> memref<1x1x800x16xf32, #tpu.memory_space<vmem>>
        %dma_wait3A_360 = tpu.memref_squeeze %dma_wait3A_359 : memref<1x1x800x16xf32, #tpu.memory_space<vmem>> -> memref<800x16xf32, #tpu.memory_space<vmem>>
        tpu.wait_dma2 semaphore(%run_scoped3A_332 : memref<!tpu.dma_semaphore, #tpu.memory_space<semaphore_mem>>) src(%dma_wait3A_360 : memref<800x16xf32, #tpu.memory_space<vmem>>) dst(%dma_wait3A_356 : memref<800x16xf32, #tpu.memory_space<hbm>>)
        tpu.yield
      }) : () -> ()
      %add3A_270 = arith.constant 2 : i32
      %add3A_271 = arith.addi %mul3A_158, %add3A_270 : i32
      %lt3A = arith.constant 32 : i32
      %lt3A_272 = arith.cmpi slt, %add3A_271, %lt3A : i32
      %convert_element_type3A = arith.extui %lt3A_272 : i1 to i32
      %cond3A = arith.constant 0 : i32
      %cond3A_273 = arith.cmpi ne, %convert_element_type3A, %cond3A : i32
      scf.if %cond3A_273 {
        %add3A_332 = arith.constant 2 : i32
        %add3A_333 = arith.addi %mul3A_158, %add3A_332 : i32
        %mul3A_334 = arith.constant 25600 : i32
        %mul3A_335 = arith.muli %add3A, %mul3A_334 : i32
        %mul3A_336 = arith.constant 800 : i32
        %mul3A_337 = arith.muli %add3A_333, %mul3A_336 : i32
        %add3A_338 = arith.addi %mul3A_335, %mul3A_337 : i32
        %run_scoped3A_339 = arith.constant 0 : i32
        %run_scoped3A_340 = arith.constant 0 : i32
        "tpu.region"() ({
          %run_scoped3A_387 = tpu.sem_alloc : memref<!tpu.dma_semaphore, #tpu.memory_space<semaphore_mem>>
          %dma_start3A_388 = arith.constant 0 : i32
          %dma_start3A_389 = tpu.memref_slice %arg11[%run_scoped3A_339, %run_scoped3A_340, %dma_start3A_388] : memref<2x3x800xi32, #tpu.memory_space<vmem>> -> memref<1x1x800xi32, #tpu.memory_space<vmem>>
          %dma_start3A_390 = tpu.memref_squeeze %dma_start3A_389 : memref<1x1x800xi32, #tpu.memory_space<vmem>> -> memref<800xi32, #tpu.memory_space<vmem>>
          %dma_start3A_391 = tpu.memref_slice %arg5[%add3A_338] : memref<819200xi32, #tpu.memory_space<hbm>> -> memref<800xi32, #tpu.memory_space<hbm>>
          %dma_start3A_392 = arith.constant 0 : i32
          %dma_start3A_393 = tpu.memref_slice %arg11[%run_scoped3A_339, %run_scoped3A_340, %dma_start3A_392] : memref<2x3x800xi32, #tpu.memory_space<vmem>> -> memref<1x1x800xi32, #tpu.memory_space<vmem>>
          %dma_start3A_394 = tpu.memref_squeeze %dma_start3A_393 : memref<1x1x800xi32, #tpu.memory_space<vmem>> -> memref<800xi32, #tpu.memory_space<vmem>>
          %dma_start3A_395 = tpu.memref_slice %arg5[%add3A_338] : memref<819200xi32, #tpu.memory_space<hbm>> -> memref<800xi32, #tpu.memory_space<hbm>>
          tpu.enqueue_dma source(%dma_start3A_395 : memref<800xi32, #tpu.memory_space<hbm>>) target(%dma_start3A_394 : memref<800xi32, #tpu.memory_space<vmem>>) target_semaphore(%run_scoped3A_387 : memref<!tpu.dma_semaphore, #tpu.memory_space<semaphore_mem>>)
          %dma_wait3A_396 = arith.constant 0 : i32
          %dma_wait3A_397 = tpu.memref_slice %arg11[%run_scoped3A_339, %run_scoped3A_340, %dma_wait3A_396] : memref<2x3x800xi32, #tpu.memory_space<vmem>> -> memref<1x1x800xi32, #tpu.memory_space<vmem>>
          %dma_wait3A_398 = tpu.memref_squeeze %dma_wait3A_397 : memref<1x1x800xi32, #tpu.memory_space<vmem>> -> memref<800xi32, #tpu.memory_space<vmem>>
          %dma_wait3A_399 = tpu.memref_slice %arg5[%add3A_338] : memref<819200xi32, #tpu.memory_space<hbm>> -> memref<800xi32, #tpu.memory_space<hbm>>
          %dma_wait3A_400 = arith.constant 0 : i32
          %dma_wait3A_401 = tpu.memref_slice %arg11[%run_scoped3A_339, %run_scoped3A_340, %dma_wait3A_400] : memref<2x3x800xi32, #tpu.memory_space<vmem>> -> memref<1x1x800xi32, #tpu.memory_space<vmem>>
          %dma_wait3A_402 = tpu.memref_squeeze %dma_wait3A_401 : memref<1x1x800xi32, #tpu.memory_space<vmem>> -> memref<800xi32, #tpu.memory_space<vmem>>
          %dma_wait3A_403 = tpu.memref_slice %arg5[%add3A_338] : memref<819200xi32, #tpu.memory_space<hbm>> -> memref<800xi32, #tpu.memory_space<hbm>>
          tpu.wait_dma2 semaphore(%run_scoped3A_387 : memref<!tpu.dma_semaphore, #tpu.memory_space<semaphore_mem>>) src(%dma_wait3A_403 : memref<800xi32, #tpu.memory_space<hbm>>) dst(%dma_wait3A_402 : memref<800xi32, #tpu.memory_space<vmem>>)
          tpu.yield
        }) : () -> ()
        %dma_start3A_341 = arith.constant 0 : i32
        %dma_start3A_342 = arith.constant 0 : i32
        %dma_start3A_343 = arith.constant 0 : i32
        %dma_start3A_344 = arith.constant 0 : i32
        %dma_start3A_345 = arith.constant 0 : i32
        %dma_start3A_346 = arith.constant 0 : i32
        %dma_start3A_347 = tpu.memref_slice %arg12[%dma_start3A_343, %dma_start3A_344, %dma_start3A_345, %dma_start3A_346] : memref<2x3x800x16xf32, #tpu.memory_space<vmem>> -> memref<1x1x800x16xf32, #tpu.memory_space<vmem>>
        %dma_start3A_348 = tpu.memref_squeeze %dma_start3A_347 : memref<1x1x800x16xf32, #tpu.memory_space<vmem>> -> memref<800x16xf32, #tpu.memory_space<vmem>>
        %dma_start3A_349 = arith.constant 0 : i32
        %dma_start3A_350 = tpu.memref_slice %arg11[%dma_start3A_341, %dma_start3A_342, %dma_start3A_349] : memref<2x3x800xi32, #tpu.memory_space<vmem>> -> memref<1x1x800xi32, #tpu.memory_space<vmem>>
        %dma_start3A_351 = tpu.memref_squeeze %dma_start3A_350 : memref<1x1x800xi32, #tpu.memory_space<vmem>> -> memref<800xi32, #tpu.memory_space<vmem>>
        %dma_start3A_352 = arith.constant 0 : i32
        %dma_start3A_353 = arith.constant 0 : i32
        %dma_start3A_354 = tpu.memref_slice %arg8[%dma_start3A_352, %dma_start3A_353] : memref<1000000x16xf32, #tpu.memory_space<hbm>> -> memref<1000000x16xf32, #tpu.memory_space<hbm>>
        tpu.enqueue_indirect_dma source(%dma_start3A_354 : memref<1000000x16xf32, #tpu.memory_space<hbm>>) target(%dma_start3A_348 : memref<800x16xf32, #tpu.memory_space<vmem>>) offsets(%dma_start3A_351 : memref<800xi32, #tpu.memory_space<vmem>>) semaphore(%arg13 : memref<!tpu.dma_semaphore, #tpu.memory_space<semaphore_mem>>)
        %run_scoped3A_355 = arith.constant 0 : i32
        %run_scoped3A_356 = arith.constant 1 : i32
        "tpu.region"() ({
          %run_scoped3A_387 = tpu.sem_alloc : memref<!tpu.dma_semaphore, #tpu.memory_space<semaphore_mem>>
          %dma_start3A_388 = arith.constant 0 : i32
          %dma_start3A_389 = tpu.memref_slice %arg11[%run_scoped3A_355, %run_scoped3A_356, %dma_start3A_388] : memref<2x3x800xi32, #tpu.memory_space<vmem>> -> memref<1x1x800xi32, #tpu.memory_space<vmem>>
          %dma_start3A_390 = tpu.memref_squeeze %dma_start3A_389 : memref<1x1x800xi32, #tpu.memory_space<vmem>> -> memref<800xi32, #tpu.memory_space<vmem>>
          %dma_start3A_391 = tpu.memref_slice %arg6[%add3A_338] : memref<819200xi32, #tpu.memory_space<hbm>> -> memref<800xi32, #tpu.memory_space<hbm>>
          %dma_start3A_392 = arith.constant 0 : i32
          %dma_start3A_393 = tpu.memref_slice %arg11[%run_scoped3A_355, %run_scoped3A_356, %dma_start3A_392] : memref<2x3x800xi32, #tpu.memory_space<vmem>> -> memref<1x1x800xi32, #tpu.memory_space<vmem>>
          %dma_start3A_394 = tpu.memref_squeeze %dma_start3A_393 : memref<1x1x800xi32, #tpu.memory_space<vmem>> -> memref<800xi32, #tpu.memory_space<vmem>>
          %dma_start3A_395 = tpu.memref_slice %arg6[%add3A_338] : memref<819200xi32, #tpu.memory_space<hbm>> -> memref<800xi32, #tpu.memory_space<hbm>>
          tpu.enqueue_dma source(%dma_start3A_395 : memref<800xi32, #tpu.memory_space<hbm>>) target(%dma_start3A_394 : memref<800xi32, #tpu.memory_space<vmem>>) target_semaphore(%run_scoped3A_387 : memref<!tpu.dma_semaphore, #tpu.memory_space<semaphore_mem>>)
          %dma_wait3A_396 = arith.constant 0 : i32
          %dma_wait3A_397 = tpu.memref_slice %arg11[%run_scoped3A_355, %run_scoped3A_356, %dma_wait3A_396] : memref<2x3x800xi32, #tpu.memory_space<vmem>> -> memref<1x1x800xi32, #tpu.memory_space<vmem>>
          %dma_wait3A_398 = tpu.memref_squeeze %dma_wait3A_397 : memref<1x1x800xi32, #tpu.memory_space<vmem>> -> memref<800xi32, #tpu.memory_space<vmem>>
          %dma_wait3A_399 = tpu.memref_slice %arg6[%add3A_338] : memref<819200xi32, #tpu.memory_space<hbm>> -> memref<800xi32, #tpu.memory_space<hbm>>
          %dma_wait3A_400 = arith.constant 0 : i32
          %dma_wait3A_401 = tpu.memref_slice %arg11[%run_scoped3A_355, %run_scoped3A_356, %dma_wait3A_400] : memref<2x3x800xi32, #tpu.memory_space<vmem>> -> memref<1x1x800xi32, #tpu.memory_space<vmem>>
          %dma_wait3A_402 = tpu.memref_squeeze %dma_wait3A_401 : memref<1x1x800xi32, #tpu.memory_space<vmem>> -> memref<800xi32, #tpu.memory_space<vmem>>
          %dma_wait3A_403 = tpu.memref_slice %arg6[%add3A_338] : memref<819200xi32, #tpu.memory_space<hbm>> -> memref<800xi32, #tpu.memory_space<hbm>>
          tpu.wait_dma2 semaphore(%run_scoped3A_387 : memref<!tpu.dma_semaphore, #tpu.memory_space<semaphore_mem>>) src(%dma_wait3A_403 : memref<800xi32, #tpu.memory_space<hbm>>) dst(%dma_wait3A_402 : memref<800xi32, #tpu.memory_space<vmem>>)
          tpu.yield
        }) : () -> ()
        %dma_start3A_357 = arith.constant 0 : i32
        %dma_start3A_358 = arith.constant 1 : i32
        %dma_start3A_359 = arith.constant 0 : i32
        %dma_start3A_360 = arith.constant 1 : i32
        %dma_start3A_361 = arith.constant 0 : i32
        %dma_start3A_362 = arith.constant 0 : i32
        %dma_start3A_363 = tpu.memref_slice %arg12[%dma_start3A_359, %dma_start3A_360, %dma_start3A_361, %dma_start3A_362] : memref<2x3x800x16xf32, #tpu.memory_space<vmem>> -> memref<1x1x800x16xf32, #tpu.memory_space<vmem>>
        %dma_start3A_364 = tpu.memref_squeeze %dma_start3A_363 : memref<1x1x800x16xf32, #tpu.memory_space<vmem>> -> memref<800x16xf32, #tpu.memory_space<vmem>>
        %dma_start3A_365 = arith.constant 0 : i32
        %dma_start3A_366 = tpu.memref_slice %arg11[%dma_start3A_357, %dma_start3A_358, %dma_start3A_365] : memref<2x3x800xi32, #tpu.memory_space<vmem>> -> memref<1x1x800xi32, #tpu.memory_space<vmem>>
        %dma_start3A_367 = tpu.memref_squeeze %dma_start3A_366 : memref<1x1x800xi32, #tpu.memory_space<vmem>> -> memref<800xi32, #tpu.memory_space<vmem>>
        %dma_start3A_368 = arith.constant 0 : i32
        %dma_start3A_369 = arith.constant 0 : i32
        %dma_start3A_370 = tpu.memref_slice %arg8[%dma_start3A_368, %dma_start3A_369] : memref<1000000x16xf32, #tpu.memory_space<hbm>> -> memref<1000000x16xf32, #tpu.memory_space<hbm>>
        tpu.enqueue_indirect_dma source(%dma_start3A_370 : memref<1000000x16xf32, #tpu.memory_space<hbm>>) target(%dma_start3A_364 : memref<800x16xf32, #tpu.memory_space<vmem>>) offsets(%dma_start3A_367 : memref<800xi32, #tpu.memory_space<vmem>>) semaphore(%arg13 : memref<!tpu.dma_semaphore, #tpu.memory_space<semaphore_mem>>)
        %run_scoped3A_371 = arith.constant 0 : i32
        %run_scoped3A_372 = arith.constant 2 : i32
        "tpu.region"() ({
          %run_scoped3A_387 = tpu.sem_alloc : memref<!tpu.dma_semaphore, #tpu.memory_space<semaphore_mem>>
          %dma_start3A_388 = arith.constant 0 : i32
          %dma_start3A_389 = tpu.memref_slice %arg11[%run_scoped3A_371, %run_scoped3A_372, %dma_start3A_388] : memref<2x3x800xi32, #tpu.memory_space<vmem>> -> memref<1x1x800xi32, #tpu.memory_space<vmem>>
          %dma_start3A_390 = tpu.memref_squeeze %dma_start3A_389 : memref<1x1x800xi32, #tpu.memory_space<vmem>> -> memref<800xi32, #tpu.memory_space<vmem>>
          %dma_start3A_391 = tpu.memref_slice %arg7[%add3A_338] : memref<819200xi32, #tpu.memory_space<hbm>> -> memref<800xi32, #tpu.memory_space<hbm>>
          %dma_start3A_392 = arith.constant 0 : i32
          %dma_start3A_393 = tpu.memref_slice %arg11[%run_scoped3A_371, %run_scoped3A_372, %dma_start3A_392] : memref<2x3x800xi32, #tpu.memory_space<vmem>> -> memref<1x1x800xi32, #tpu.memory_space<vmem>>
          %dma_start3A_394 = tpu.memref_squeeze %dma_start3A_393 : memref<1x1x800xi32, #tpu.memory_space<vmem>> -> memref<800xi32, #tpu.memory_space<vmem>>
          %dma_start3A_395 = tpu.memref_slice %arg7[%add3A_338] : memref<819200xi32, #tpu.memory_space<hbm>> -> memref<800xi32, #tpu.memory_space<hbm>>
          tpu.enqueue_dma source(%dma_start3A_395 : memref<800xi32, #tpu.memory_space<hbm>>) target(%dma_start3A_394 : memref<800xi32, #tpu.memory_space<vmem>>) target_semaphore(%run_scoped3A_387 : memref<!tpu.dma_semaphore, #tpu.memory_space<semaphore_mem>>)
          %dma_wait3A_396 = arith.constant 0 : i32
          %dma_wait3A_397 = tpu.memref_slice %arg11[%run_scoped3A_371, %run_scoped3A_372, %dma_wait3A_396] : memref<2x3x800xi32, #tpu.memory_space<vmem>> -> memref<1x1x800xi32, #tpu.memory_space<vmem>>
          %dma_wait3A_398 = tpu.memref_squeeze %dma_wait3A_397 : memref<1x1x800xi32, #tpu.memory_space<vmem>> -> memref<800xi32, #tpu.memory_space<vmem>>
          %dma_wait3A_399 = tpu.memref_slice %arg7[%add3A_338] : memref<819200xi32, #tpu.memory_space<hbm>> -> memref<800xi32, #tpu.memory_space<hbm>>
          %dma_wait3A_400 = arith.constant 0 : i32
          %dma_wait3A_401 = tpu.memref_slice %arg11[%run_scoped3A_371, %run_scoped3A_372, %dma_wait3A_400] : memref<2x3x800xi32, #tpu.memory_space<vmem>> -> memref<1x1x800xi32, #tpu.memory_space<vmem>>
          %dma_wait3A_402 = tpu.memref_squeeze %dma_wait3A_401 : memref<1x1x800xi32, #tpu.memory_space<vmem>> -> memref<800xi32, #tpu.memory_space<vmem>>
          %dma_wait3A_403 = tpu.memref_slice %arg7[%add3A_338] : memref<819200xi32, #tpu.memory_space<hbm>> -> memref<800xi32, #tpu.memory_space<hbm>>
          tpu.wait_dma2 semaphore(%run_scoped3A_387 : memref<!tpu.dma_semaphore, #tpu.memory_space<semaphore_mem>>) src(%dma_wait3A_403 : memref<800xi32, #tpu.memory_space<hbm>>) dst(%dma_wait3A_402 : memref<800xi32, #tpu.memory_space<vmem>>)
          tpu.yield
        }) : () -> ()
        %dma_start3A_373 = arith.constant 0 : i32
        %dma_start3A_374 = arith.constant 2 : i32
        %dma_start3A_375 = arith.constant 0 : i32
        %dma_start3A_376 = arith.constant 2 : i32
        %dma_start3A_377 = arith.constant 0 : i32
        %dma_start3A_378 = arith.constant 0 : i32
        %dma_start3A_379 = tpu.memref_slice %arg12[%dma_start3A_375, %dma_start3A_376, %dma_start3A_377, %dma_start3A_378] : memref<2x3x800x16xf32, #tpu.memory_space<vmem>> -> memref<1x1x800x16xf32, #tpu.memory_space<vmem>>
        %dma_start3A_380 = tpu.memref_squeeze %dma_start3A_379 : memref<1x1x800x16xf32, #tpu.memory_space<vmem>> -> memref<800x16xf32, #tpu.memory_space<vmem>>
        %dma_start3A_381 = arith.constant 0 : i32
        %dma_start3A_382 = tpu.memref_slice %arg11[%dma_start3A_373, %dma_start3A_374, %dma_start3A_381] : memref<2x3x800xi32, #tpu.memory_space<vmem>> -> memref<1x1x800xi32, #tpu.memory_space<vmem>>
        %dma_start3A_383 = tpu.memref_squeeze %dma_start3A_382 : memref<1x1x800xi32, #tpu.memory_space<vmem>> -> memref<800xi32, #tpu.memory_space<vmem>>
        %dma_start3A_384 = arith.constant 0 : i32
        %dma_start3A_385 = arith.constant 0 : i32
        %dma_start3A_386 = tpu.memref_slice %arg8[%dma_start3A_384, %dma_start3A_385] : memref<1000000x16xf32, #tpu.memory_space<hbm>> -> memref<1000000x16xf32, #tpu.memory_space<hbm>>
        tpu.enqueue_indirect_dma source(%dma_start3A_386 : memref<1000000x16xf32, #tpu.memory_space<hbm>>) target(%dma_start3A_380 : memref<800x16xf32, #tpu.memory_space<vmem>>) offsets(%dma_start3A_383 : memref<800xi32, #tpu.memory_space<vmem>>) semaphore(%arg13 : memref<!tpu.dma_semaphore, #tpu.memory_space<semaphore_mem>>)
      } else {
      }
      %add3A_274 = arith.constant 1 : i32
      %add3A_275 = arith.addi %mul3A_158, %add3A_274 : i32
      %mul3A_276 = arith.constant 25600 : i32
      %mul3A_277 = arith.muli %add3A, %mul3A_276 : i32
      %mul3A_278 = arith.constant 800 : i32
      %mul3A_279 = arith.muli %add3A_275, %mul3A_278 : i32
      %add3A_280 = arith.addi %mul3A_277, %mul3A_279 : i32
      %dma_wait3A_281 = arith.constant 1 : i32
      %dma_wait3A_282 = arith.constant 0 : i32
      %dma_wait3A_283 = arith.constant 1 : i32
      %dma_wait3A_284 = arith.constant 0 : i32
      %dma_wait3A_285 = arith.constant 0 : i32
      %dma_wait3A_286 = arith.constant 0 : i32
      %dma_wait3A_287 = tpu.memref_slice %arg12[%dma_wait3A_283, %dma_wait3A_284, %dma_wait3A_285, %dma_wait3A_286] : memref<2x3x800x16xf32, #tpu.memory_space<vmem>> -> memref<1x1x800x16xf32, #tpu.memory_space<vmem>>
      %dma_wait3A_288 = tpu.memref_squeeze %dma_wait3A_287 : memref<1x1x800x16xf32, #tpu.memory_space<vmem>> -> memref<800x16xf32, #tpu.memory_space<vmem>>
      %dma_wait3A_289 = arith.constant 0 : i32
      %dma_wait3A_290 = tpu.memref_slice %arg11[%dma_wait3A_281, %dma_wait3A_282, %dma_wait3A_289] : memref<2x3x800xi32, #tpu.memory_space<vmem>> -> memref<1x1x800xi32, #tpu.memory_space<vmem>>
      %dma_wait3A_291 = tpu.memref_squeeze %dma_wait3A_290 : memref<1x1x800xi32, #tpu.memory_space<vmem>> -> memref<800xi32, #tpu.memory_space<vmem>>
      %dma_wait3A_292 = arith.constant 0 : i32
      %dma_wait3A_293 = arith.constant 0 : i32
      %dma_wait3A_294 = tpu.memref_slice %arg8[%dma_wait3A_292, %dma_wait3A_293] : memref<1000000x16xf32, #tpu.memory_space<hbm>> -> memref<1000000x16xf32, #tpu.memory_space<hbm>>
      tpu.wait_indirect_dma semaphore(%arg13 : memref<!tpu.dma_semaphore, #tpu.memory_space<semaphore_mem>>) src(%dma_wait3A_294 : memref<1000000x16xf32, #tpu.memory_space<hbm>>) dst(%dma_wait3A_288 : memref<800x16xf32, #tpu.memory_space<vmem>>)
      %run_scoped3A_295 = arith.constant 1 : i32
      %run_scoped3A_296 = arith.constant 0 : i32
      %run_scoped3A_297 = arith.constant 0 : i32
      "tpu.region"() ({
        %run_scoped3A_332 = tpu.sem_alloc : memref<!tpu.dma_semaphore, #tpu.memory_space<semaphore_mem>>
        %dma_start3A_333 = arith.constant 0 : i32
        %dma_start3A_334 = arith.constant 0 : i32
        %dma_start3A_335 = tpu.memref_slice %arg12[%run_scoped3A_295, %run_scoped3A_296, %dma_start3A_333, %dma_start3A_334] : memref<2x3x800x16xf32, #tpu.memory_space<vmem>> -> memref<1x1x800x16xf32, #tpu.memory_space<vmem>>
        %dma_start3A_336 = tpu.memref_squeeze %dma_start3A_335 : memref<1x1x800x16xf32, #tpu.memory_space<vmem>> -> memref<800x16xf32, #tpu.memory_space<vmem>>
        %dma_start3A_337 = arith.constant 0 : i32
        %dma_start3A_338 = tpu.memref_slice %arg10[%add3A_280, %run_scoped3A_297, %dma_start3A_337] : memref<819200x3x16xf32, #tpu.memory_space<hbm>> -> memref<800x1x16xf32, #tpu.memory_space<hbm>>
        %dma_start3A_339 = tpu.memref_squeeze %dma_start3A_338 : memref<800x1x16xf32, #tpu.memory_space<hbm>> -> memref<800x16xf32, #tpu.memory_space<hbm>>
        %dma_start3A_340 = arith.constant 0 : i32
        %dma_start3A_341 = tpu.memref_slice %arg10[%add3A_280, %run_scoped3A_297, %dma_start3A_340] : memref<819200x3x16xf32, #tpu.memory_space<hbm>> -> memref<800x1x16xf32, #tpu.memory_space<hbm>>
        %dma_start3A_342 = tpu.memref_squeeze %dma_start3A_341 : memref<800x1x16xf32, #tpu.memory_space<hbm>> -> memref<800x16xf32, #tpu.memory_space<hbm>>
        %dma_start3A_343 = arith.constant 0 : i32
        %dma_start3A_344 = arith.constant 0 : i32
        %dma_start3A_345 = tpu.memref_slice %arg12[%run_scoped3A_295, %run_scoped3A_296, %dma_start3A_343, %dma_start3A_344] : memref<2x3x800x16xf32, #tpu.memory_space<vmem>> -> memref<1x1x800x16xf32, #tpu.memory_space<vmem>>
        %dma_start3A_346 = tpu.memref_squeeze %dma_start3A_345 : memref<1x1x800x16xf32, #tpu.memory_space<vmem>> -> memref<800x16xf32, #tpu.memory_space<vmem>>
        tpu.enqueue_dma source(%dma_start3A_346 : memref<800x16xf32, #tpu.memory_space<vmem>>) target(%dma_start3A_342 : memref<800x16xf32, #tpu.memory_space<hbm>>) target_semaphore(%run_scoped3A_332 : memref<!tpu.dma_semaphore, #tpu.memory_space<semaphore_mem>>)
        %dma_wait3A_347 = arith.constant 0 : i32
        %dma_wait3A_348 = arith.constant 0 : i32
        %dma_wait3A_349 = tpu.memref_slice %arg12[%run_scoped3A_295, %run_scoped3A_296, %dma_wait3A_347, %dma_wait3A_348] : memref<2x3x800x16xf32, #tpu.memory_space<vmem>> -> memref<1x1x800x16xf32, #tpu.memory_space<vmem>>
        %dma_wait3A_350 = tpu.memref_squeeze %dma_wait3A_349 : memref<1x1x800x16xf32, #tpu.memory_space<vmem>> -> memref<800x16xf32, #tpu.memory_space<vmem>>
        %dma_wait3A_351 = arith.constant 0 : i32
        %dma_wait3A_352 = tpu.memref_slice %arg10[%add3A_280, %run_scoped3A_297, %dma_wait3A_351] : memref<819200x3x16xf32, #tpu.memory_space<hbm>> -> memref<800x1x16xf32, #tpu.memory_space<hbm>>
        %dma_wait3A_353 = tpu.memref_squeeze %dma_wait3A_352 : memref<800x1x16xf32, #tpu.memory_space<hbm>> -> memref<800x16xf32, #tpu.memory_space<hbm>>
        %dma_wait3A_354 = arith.constant 0 : i32
        %dma_wait3A_355 = tpu.memref_slice %arg10[%add3A_280, %run_scoped3A_297, %dma_wait3A_354] : memref<819200x3x16xf32, #tpu.memory_space<hbm>> -> memref<800x1x16xf32, #tpu.memory_space<hbm>>
        %dma_wait3A_356 = tpu.memref_squeeze %dma_wait3A_355 : memref<800x1x16xf32, #tpu.memory_space<hbm>> -> memref<800x16xf32, #tpu.memory_space<hbm>>
        %dma_wait3A_357 = arith.constant 0 : i32
        %dma_wait3A_358 = arith.constant 0 : i32
        %dma_wait3A_359 = tpu.memref_slice %arg12[%run_scoped3A_295, %run_scoped3A_296, %dma_wait3A_357, %dma_wait3A_358] : memref<2x3x800x16xf32, #tpu.memory_space<vmem>> -> memref<1x1x800x16xf32, #tpu.memory_space<vmem>>
        %dma_wait3A_360 = tpu.memref_squeeze %dma_wait3A_359 : memref<1x1x800x16xf32, #tpu.memory_space<vmem>> -> memref<800x16xf32, #tpu.memory_space<vmem>>
        tpu.wait_dma2 semaphore(%run_scoped3A_332 : memref<!tpu.dma_semaphore, #tpu.memory_space<semaphore_mem>>) src(%dma_wait3A_360 : memref<800x16xf32, #tpu.memory_space<vmem>>) dst(%dma_wait3A_356 : memref<800x16xf32, #tpu.memory_space<hbm>>)
        tpu.yield
      }) : () -> ()
      %dma_wait3A_298 = arith.constant 1 : i32
      %dma_wait3A_299 = arith.constant 1 : i32
      %dma_wait3A_300 = arith.constant 1 : i32
      %dma_wait3A_301 = arith.constant 1 : i32
      %dma_wait3A_302 = arith.constant 0 : i32
      %dma_wait3A_303 = arith.constant 0 : i32
      %dma_wait3A_304 = tpu.memref_slice %arg12[%dma_wait3A_300, %dma_wait3A_301, %dma_wait3A_302, %dma_wait3A_303] : memref<2x3x800x16xf32, #tpu.memory_space<vmem>> -> memref<1x1x800x16xf32, #tpu.memory_space<vmem>>
      %dma_wait3A_305 = tpu.memref_squeeze %dma_wait3A_304 : memref<1x1x800x16xf32, #tpu.memory_space<vmem>> -> memref<800x16xf32, #tpu.memory_space<vmem>>
      %dma_wait3A_306 = arith.constant 0 : i32
      %dma_wait3A_307 = tpu.memref_slice %arg11[%dma_wait3A_298, %dma_wait3A_299, %dma_wait3A_306] : memref<2x3x800xi32, #tpu.memory_space<vmem>> -> memref<1x1x800xi32, #tpu.memory_space<vmem>>
      %dma_wait3A_308 = tpu.memref_squeeze %dma_wait3A_307 : memref<1x1x800xi32, #tpu.memory_space<vmem>> -> memref<800xi32, #tpu.memory_space<vmem>>
      %dma_wait3A_309 = arith.constant 0 : i32
      %dma_wait3A_310 = arith.constant 0 : i32
      %dma_wait3A_311 = tpu.memref_slice %arg8[%dma_wait3A_309, %dma_wait3A_310] : memref<1000000x16xf32, #tpu.memory_space<hbm>> -> memref<1000000x16xf32, #tpu.memory_space<hbm>>
      tpu.wait_indirect_dma semaphore(%arg13 : memref<!tpu.dma_semaphore, #tpu.memory_space<semaphore_mem>>) src(%dma_wait3A_311 : memref<1000000x16xf32, #tpu.memory_space<hbm>>) dst(%dma_wait3A_305 : memref<800x16xf32, #tpu.memory_space<vmem>>)
      %run_scoped3A_312 = arith.constant 1 : i32
      %run_scoped3A_313 = arith.constant 1 : i32
      %run_scoped3A_314 = arith.constant 1 : i32
      "tpu.region"() ({
        %run_scoped3A_332 = tpu.sem_alloc : memref<!tpu.dma_semaphore, #tpu.memory_space<semaphore_mem>>
        %dma_start3A_333 = arith.constant 0 : i32
        %dma_start3A_334 = arith.constant 0 : i32
        %dma_start3A_335 = tpu.memref_slice %arg12[%run_scoped3A_312, %run_scoped3A_313, %dma_start3A_333, %dma_start3A_334] : memref<2x3x800x16xf32, #tpu.memory_space<vmem>> -> memref<1x1x800x16xf32, #tpu.memory_space<vmem>>
        %dma_start3A_336 = tpu.memref_squeeze %dma_start3A_335 : memref<1x1x800x16xf32, #tpu.memory_space<vmem>> -> memref<800x16xf32, #tpu.memory_space<vmem>>
        %dma_start3A_337 = arith.constant 0 : i32
        %dma_start3A_338 = tpu.memref_slice %arg10[%add3A_280, %run_scoped3A_314, %dma_start3A_337] : memref<819200x3x16xf32, #tpu.memory_space<hbm>> -> memref<800x1x16xf32, #tpu.memory_space<hbm>>
        %dma_start3A_339 = tpu.memref_squeeze %dma_start3A_338 : memref<800x1x16xf32, #tpu.memory_space<hbm>> -> memref<800x16xf32, #tpu.memory_space<hbm>>
        %dma_start3A_340 = arith.constant 0 : i32
        %dma_start3A_341 = tpu.memref_slice %arg10[%add3A_280, %run_scoped3A_314, %dma_start3A_340] : memref<819200x3x16xf32, #tpu.memory_space<hbm>> -> memref<800x1x16xf32, #tpu.memory_space<hbm>>
        %dma_start3A_342 = tpu.memref_squeeze %dma_start3A_341 : memref<800x1x16xf32, #tpu.memory_space<hbm>> -> memref<800x16xf32, #tpu.memory_space<hbm>>
        %dma_start3A_343 = arith.constant 0 : i32
        %dma_start3A_344 = arith.constant 0 : i32
        %dma_start3A_345 = tpu.memref_slice %arg12[%run_scoped3A_312, %run_scoped3A_313, %dma_start3A_343, %dma_start3A_344] : memref<2x3x800x16xf32, #tpu.memory_space<vmem>> -> memref<1x1x800x16xf32, #tpu.memory_space<vmem>>
        %dma_start3A_346 = tpu.memref_squeeze %dma_start3A_345 : memref<1x1x800x16xf32, #tpu.memory_space<vmem>> -> memref<800x16xf32, #tpu.memory_space<vmem>>
        tpu.enqueue_dma source(%dma_start3A_346 : memref<800x16xf32, #tpu.memory_space<vmem>>) target(%dma_start3A_342 : memref<800x16xf32, #tpu.memory_space<hbm>>) target_semaphore(%run_scoped3A_332 : memref<!tpu.dma_semaphore, #tpu.memory_space<semaphore_mem>>)
        %dma_wait3A_347 = arith.constant 0 : i32
        %dma_wait3A_348 = arith.constant 0 : i32
        %dma_wait3A_349 = tpu.memref_slice %arg12[%run_scoped3A_312, %run_scoped3A_313, %dma_wait3A_347, %dma_wait3A_348] : memref<2x3x800x16xf32, #tpu.memory_space<vmem>> -> memref<1x1x800x16xf32, #tpu.memory_space<vmem>>
        %dma_wait3A_350 = tpu.memref_squeeze %dma_wait3A_349 : memref<1x1x800x16xf32, #tpu.memory_space<vmem>> -> memref<800x16xf32, #tpu.memory_space<vmem>>
        %dma_wait3A_351 = arith.constant 0 : i32
        %dma_wait3A_352 = tpu.memref_slice %arg10[%add3A_280, %run_scoped3A_314, %dma_wait3A_351] : memref<819200x3x16xf32, #tpu.memory_space<hbm>> -> memref<800x1x16xf32, #tpu.memory_space<hbm>>
        %dma_wait3A_353 = tpu.memref_squeeze %dma_wait3A_352 : memref<800x1x16xf32, #tpu.memory_space<hbm>> -> memref<800x16xf32, #tpu.memory_space<hbm>>
        %dma_wait3A_354 = arith.constant 0 : i32
        %dma_wait3A_355 = tpu.memref_slice %arg10[%add3A_280, %run_scoped3A_314, %dma_wait3A_354] : memref<819200x3x16xf32, #tpu.memory_space<hbm>> -> memref<800x1x16xf32, #tpu.memory_space<hbm>>
        %dma_wait3A_356 = tpu.memref_squeeze %dma_wait3A_355 : memref<800x1x16xf32, #tpu.memory_space<hbm>> -> memref<800x16xf32, #tpu.memory_space<hbm>>
        %dma_wait3A_357 = arith.constant 0 : i32
        %dma_wait3A_358 = arith.constant 0 : i32
        %dma_wait3A_359 = tpu.memref_slice %arg12[%run_scoped3A_312, %run_scoped3A_313, %dma_wait3A_357, %dma_wait3A_358] : memref<2x3x800x16xf32, #tpu.memory_space<vmem>> -> memref<1x1x800x16xf32, #tpu.memory_space<vmem>>
        %dma_wait3A_360 = tpu.memref_squeeze %dma_wait3A_359 : memref<1x1x800x16xf32, #tpu.memory_space<vmem>> -> memref<800x16xf32, #tpu.memory_space<vmem>>
        tpu.wait_dma2 semaphore(%run_scoped3A_332 : memref<!tpu.dma_semaphore, #tpu.memory_space<semaphore_mem>>) src(%dma_wait3A_360 : memref<800x16xf32, #tpu.memory_space<vmem>>) dst(%dma_wait3A_356 : memref<800x16xf32, #tpu.memory_space<hbm>>)
        tpu.yield
      }) : () -> ()
      %dma_wait3A_315 = arith.constant 1 : i32
      %dma_wait3A_316 = arith.constant 2 : i32
      %dma_wait3A_317 = arith.constant 1 : i32
      %dma_wait3A_318 = arith.constant 2 : i32
      %dma_wait3A_319 = arith.constant 0 : i32
      %dma_wait3A_320 = arith.constant 0 : i32
      %dma_wait3A_321 = tpu.memref_slice %arg12[%dma_wait3A_317, %dma_wait3A_318, %dma_wait3A_319, %dma_wait3A_320] : memref<2x3x800x16xf32, #tpu.memory_space<vmem>> -> memref<1x1x800x16xf32, #tpu.memory_space<vmem>>
      %dma_wait3A_322 = tpu.memref_squeeze %dma_wait3A_321 : memref<1x1x800x16xf32, #tpu.memory_space<vmem>> -> memref<800x16xf32, #tpu.memory_space<vmem>>
      %dma_wait3A_323 = arith.constant 0 : i32
      %dma_wait3A_324 = tpu.memref_slice %arg11[%dma_wait3A_315, %dma_wait3A_316, %dma_wait3A_323] : memref<2x3x800xi32, #tpu.memory_space<vmem>> -> memref<1x1x800xi32, #tpu.memory_space<vmem>>
      %dma_wait3A_325 = tpu.memref_squeeze %dma_wait3A_324 : memref<1x1x800xi32, #tpu.memory_space<vmem>> -> memref<800xi32, #tpu.memory_space<vmem>>
      %dma_wait3A_326 = arith.constant 0 : i32
      %dma_wait3A_327 = arith.constant 0 : i32
      %dma_wait3A_328 = tpu.memref_slice %arg8[%dma_wait3A_326, %dma_wait3A_327] : memref<1000000x16xf32, #tpu.memory_space<hbm>> -> memref<1000000x16xf32, #tpu.memory_space<hbm>>
      tpu.wait_indirect_dma semaphore(%arg13 : memref<!tpu.dma_semaphore, #tpu.memory_space<semaphore_mem>>) src(%dma_wait3A_328 : memref<1000000x16xf32, #tpu.memory_space<hbm>>) dst(%dma_wait3A_322 : memref<800x16xf32, #tpu.memory_space<vmem>>)
      %run_scoped3A_329 = arith.constant 1 : i32
      %run_scoped3A_330 = arith.constant 2 : i32
      %run_scoped3A_331 = arith.constant 2 : i32
      "tpu.region"() ({
        %run_scoped3A_332 = tpu.sem_alloc : memref<!tpu.dma_semaphore, #tpu.memory_space<semaphore_mem>>
        %dma_start3A_333 = arith.constant 0 : i32
        %dma_start3A_334 = arith.constant 0 : i32
        %dma_start3A_335 = tpu.memref_slice %arg12[%run_scoped3A_329, %run_scoped3A_330, %dma_start3A_333, %dma_start3A_334] : memref<2x3x800x16xf32, #tpu.memory_space<vmem>> -> memref<1x1x800x16xf32, #tpu.memory_space<vmem>>
        %dma_start3A_336 = tpu.memref_squeeze %dma_start3A_335 : memref<1x1x800x16xf32, #tpu.memory_space<vmem>> -> memref<800x16xf32, #tpu.memory_space<vmem>>
        %dma_start3A_337 = arith.constant 0 : i32
        %dma_start3A_338 = tpu.memref_slice %arg10[%add3A_280, %run_scoped3A_331, %dma_start3A_337] : memref<819200x3x16xf32, #tpu.memory_space<hbm>> -> memref<800x1x16xf32, #tpu.memory_space<hbm>>
        %dma_start3A_339 = tpu.memref_squeeze %dma_start3A_338 : memref<800x1x16xf32, #tpu.memory_space<hbm>> -> memref<800x16xf32, #tpu.memory_space<hbm>>
        %dma_start3A_340 = arith.constant 0 : i32
        %dma_start3A_341 = tpu.memref_slice %arg10[%add3A_280, %run_scoped3A_331, %dma_start3A_340] : memref<819200x3x16xf32, #tpu.memory_space<hbm>> -> memref<800x1x16xf32, #tpu.memory_space<hbm>>
        %dma_start3A_342 = tpu.memref_squeeze %dma_start3A_341 : memref<800x1x16xf32, #tpu.memory_space<hbm>> -> memref<800x16xf32, #tpu.memory_space<hbm>>
        %dma_start3A_343 = arith.constant 0 : i32
        %dma_start3A_344 = arith.constant 0 : i32
        %dma_start3A_345 = tpu.memref_slice %arg12[%run_scoped3A_329, %run_scoped3A_330, %dma_start3A_343, %dma_start3A_344] : memref<2x3x800x16xf32, #tpu.memory_space<vmem>> -> memref<1x1x800x16xf32, #tpu.memory_space<vmem>>
        %dma_start3A_346 = tpu.memref_squeeze %dma_start3A_345 : memref<1x1x800x16xf32, #tpu.memory_space<vmem>> -> memref<800x16xf32, #tpu.memory_space<vmem>>
        tpu.enqueue_dma source(%dma_start3A_346 : memref<800x16xf32, #tpu.memory_space<vmem>>) target(%dma_start3A_342 : memref<800x16xf32, #tpu.memory_space<hbm>>) target_semaphore(%run_scoped3A_332 : memref<!tpu.dma_semaphore, #tpu.memory_space<semaphore_mem>>)
        %dma_wait3A_347 = arith.constant 0 : i32
        %dma_wait3A_348 = arith.constant 0 : i32
        %dma_wait3A_349 = tpu.memref_slice %arg12[%run_scoped3A_329, %run_scoped3A_330, %dma_wait3A_347, %dma_wait3A_348] : memref<2x3x800x16xf32, #tpu.memory_space<vmem>> -> memref<1x1x800x16xf32, #tpu.memory_space<vmem>>
        %dma_wait3A_350 = tpu.memref_squeeze %dma_wait3A_349 : memref<1x1x800x16xf32, #tpu.memory_space<vmem>> -> memref<800x16xf32, #tpu.memory_space<vmem>>
        %dma_wait3A_351 = arith.constant 0 : i32
        %dma_wait3A_352 = tpu.memref_slice %arg10[%add3A_280, %run_scoped3A_331, %dma_wait3A_351] : memref<819200x3x16xf32, #tpu.memory_space<hbm>> -> memref<800x1x16xf32, #tpu.memory_space<hbm>>
        %dma_wait3A_353 = tpu.memref_squeeze %dma_wait3A_352 : memref<800x1x16xf32, #tpu.memory_space<hbm>> -> memref<800x16xf32, #tpu.memory_space<hbm>>
        %dma_wait3A_354 = arith.constant 0 : i32
        %dma_wait3A_355 = tpu.memref_slice %arg10[%add3A_280, %run_scoped3A_331, %dma_wait3A_354] : memref<819200x3x16xf32, #tpu.memory_space<hbm>> -> memref<800x1x16xf32, #tpu.memory_space<hbm>>
        %dma_wait3A_356 = tpu.memref_squeeze %dma_wait3A_355 : memref<800x1x16xf32, #tpu.memory_space<hbm>> -> memref<800x16xf32, #tpu.memory_space<hbm>>
        %dma_wait3A_357 = arith.constant 0 : i32
        %dma_wait3A_358 = arith.constant 0 : i32
        %dma_wait3A_359 = tpu.memref_slice %arg12[%run_scoped3A_329, %run_scoped3A_330, %dma_wait3A_357, %dma_wait3A_358] : memref<2x3x800x16xf32, #tpu.memory_space<vmem>> -> memref<1x1x800x16xf32, #tpu.memory_space<vmem>>
        %dma_wait3A_360 = tpu.memref_squeeze %dma_wait3A_359 : memref<1x1x800x16xf32, #tpu.memory_space<vmem>> -> memref<800x16xf32, #tpu.memory_space<vmem>>
        tpu.wait_dma2 semaphore(%run_scoped3A_332 : memref<!tpu.dma_semaphore, #tpu.memory_space<semaphore_mem>>) src(%dma_wait3A_360 : memref<800x16xf32, #tpu.memory_space<vmem>>) dst(%dma_wait3A_356 : memref<800x16xf32, #tpu.memory_space<hbm>>)
        tpu.yield
      }) : () -> ()
    }
    %scan3A_155 = arith.constant 16 : i32
    return
  }
}

module attributes {stable_mosaic.version = 14 : i64} {
  func.func @_attn_body(%arg0: i32, %arg1: i32, %arg2: memref<40x512xi32, #tpu.memory_space<vmem>>, %arg3: memref<48x512xf32, #tpu.memory_space<vmem>>, %arg4: memref<512x1920xf32, #tpu.memory_space<vmem>>, %arg5: memref<48x512xf32, #tpu.memory_space<vmem>>, %arg6: memref<40x48x512xf32, #tpu.memory_space<vmem>>) attributes {dimension_semantics = [#tpu.dimension_semantics<arbitrary>, #tpu.dimension_semantics<arbitrary>], iteration_bounds = array<i64: 8, 5>, scalar_prefetch = 0 : i64, scratch_operands = 0 : i64, tpu.core_type = #tpu.core_type<tc>, window_params = [{transform_indices = @transform_0, window_bounds = array<i64: 40, 512>}, {transform_indices = @transform_1, window_bounds = array<i64: 48, 512>}, {transform_indices = @transform_2, window_bounds = array<i64: 512, 1920>}, {transform_indices = @transform_3, window_bounds = array<i64: 48, 512>}, {transform_indices = @transform_4, window_bounds = array<i64: 40, 48, 512>}]} {
    %get3A = arith.constant 0 : index
    %get3A_0 = arith.constant 0 : index
    %get3A_1 = vector.load %arg4[%get3A, %get3A_0] : memref<512x1920xf32, #tpu.memory_space<vmem>>, vector<512x1920xf32>
    %transpose3A = tpu.transpose %get3A_1, [1, 0] : vector<512x1920xf32> -> vector<1920x512xf32>
    %reshape3A = vector.shape_cast %transpose3A : vector<1920x512xf32> to vector<40x48x512xf32>
    %swap3A = arith.constant 0 : index
    %swap3A_2 = arith.constant 0 : index
    %swap3A_3 = arith.constant 0 : index
    %swap3A_4 = vector.load %arg6[%swap3A, %swap3A_2, %swap3A_3] : memref<40x48x512xf32, #tpu.memory_space<vmem>>, vector<40x48x512xf32>
    tpu.vector_store %arg6[%swap3A, %swap3A_2, %swap3A_3], %reshape3A {strides = array<i32>} : memref<40x48x512xf32, #tpu.memory_space<vmem>>, vector<40x48x512xf32>,
    %get3A_5 = arith.constant 0 : index
    %get3A_6 = arith.constant 0 : index
    %get3A_7 = vector.load %arg3[%get3A_5, %get3A_6] : memref<48x512xf32, #tpu.memory_space<vmem>>, vector<48x512xf32>
    %broadcast_in_dim3A = vector.shape_cast %get3A_7 : vector<48x512xf32> to vector<1x48x512xf32>
    %mul3A = vector.broadcast %broadcast_in_dim3A : vector<1x48x512xf32> to vector<40x48x512xf32>
    %mul3A_8 = arith.mulf %reshape3A, %mul3A : vector<40x48x512xf32>
    %reduce_sum3A = arith.constant dense<0.000000e+00> : vector<40x512xf32>
    %reduce_sum3A_9 = vector.multi_reduction <add>, %mul3A_8, %reduce_sum3A [1] : vector<40x48x512xf32> to vector<40x512xf32>
    %get3A_10 = arith.constant 0 : index
    %get3A_11 = arith.constant 0 : index
    %get3A_12 = vector.load %arg2[%get3A_10, %get3A_11] : memref<40x512xi32, #tpu.memory_space<vmem>>, vector<40x512xi32>
    %ne3A = arith.constant 0 : i32
    %ne3A_13 = vector.broadcast %ne3A : i32 to vector<40x512xi32>
    %ne3A_14 = arith.cmpi ne, %get3A_12, %ne3A_13 : vector<40x512xi32>
    %convert_element_type3A = arith.extui %ne3A_14 : vector<40x512xi1> to vector<40x512xi32>
    %convert_element_type3A_15 = arith.sitofp %convert_element_type3A : vector<40x512xi32> to vector<40x512xf32>
    %mul3A_16 = arith.mulf %reduce_sum3A_9, %convert_element_type3A_15 : vector<40x512xf32>
    %broadcast_in_dim3A_17 = vector.shape_cast %mul3A_16 : vector<40x512xf32> to vector<40x1x512xf32>
    %mul3A_18 = vector.broadcast %broadcast_in_dim3A_17 : vector<40x1x512xf32> to vector<40x48x512xf32>
    %mul3A_19 = arith.mulf %reshape3A, %mul3A_18 : vector<40x48x512xf32>
    %reduce_sum3A_20 = arith.constant dense<0.000000e+00> : vector<48x512xf32>
    %reduce_sum3A_21 = vector.multi_reduction <add>, %mul3A_19, %reduce_sum3A_20 [0] : vector<40x48x512xf32> to vector<48x512xf32>
    %eq3A = arith.constant 0 : i32
    %eq3A_22 = arith.cmpi eq, %arg1, %eq3A : i32
    %convert_element_type3A_23 = arith.extui %eq3A_22 : i1 to i32
    %cond3A = arith.constant 0 : i32
    %cond3A_24 = arith.cmpi ne, %convert_element_type3A_23, %cond3A : i32
    scf.if %cond3A_24 {
      %swap3A_30 = arith.constant 0 : index
      %swap3A_31 = arith.constant 0 : index
      %swap3A_32 = vector.load %arg5[%swap3A_30, %swap3A_31] : memref<48x512xf32, #tpu.memory_space<vmem>>, vector<48x512xf32>
      tpu.vector_store %arg5[%swap3A_30, %swap3A_31], %reduce_sum3A_21 {strides = array<i32>} : memref<48x512xf32, #tpu.memory_space<vmem>>, vector<48x512xf32>,
    } else {
    }
    %ne3A_25 = arith.constant 0 : i32
    %ne3A_26 = arith.cmpi ne, %arg1, %ne3A_25 : i32
    %convert_element_type3A_27 = arith.extui %ne3A_26 : i1 to i32
    %cond3A_28 = arith.constant 0 : i32
    %cond3A_29 = arith.cmpi ne, %convert_element_type3A_27, %cond3A_28 : i32
    scf.if %cond3A_29 {
      %get3A_30 = arith.constant 0 : index
      %get3A_31 = arith.constant 0 : index
      %get3A_32 = vector.load %arg5[%get3A_30, %get3A_31] : memref<48x512xf32, #tpu.memory_space<vmem>>, vector<48x512xf32>
      %add3A = arith.addf %get3A_32, %reduce_sum3A_21 : vector<48x512xf32>
      %swap3A_33 = arith.constant 0 : index
      %swap3A_34 = arith.constant 0 : index
      %swap3A_35 = vector.load %arg5[%swap3A_33, %swap3A_34] : memref<48x512xf32, #tpu.memory_space<vmem>>, vector<48x512xf32>
      tpu.vector_store %arg5[%swap3A_33, %swap3A_34], %add3A {strides = array<i32>} : memref<48x512xf32, #tpu.memory_space<vmem>>, vector<48x512xf32>,
    } else {
    }
    return
  }
  func.func @transform_0(%arg0: i32, %arg1: i32) -> (i32, i32) {
    %c0_i32 = arith.constant 0 : i32
    return %arg1, %arg0 : i32, i32
  }
  func.func @transform_1(%arg0: i32, %arg1: i32) -> (i32, i32) {
    %c0_i32 = arith.constant 0 : i32
    %c0_i32_0 = arith.constant 0 : i32
    return %c0_i32, %arg0 : i32, i32
  }
  func.func @transform_2(%arg0: i32, %arg1: i32) -> (i32, i32) {
    %c0_i32 = arith.constant 0 : i32
    return %arg0, %arg1 : i32, i32
  }
  func.func @transform_3(%arg0: i32, %arg1: i32) -> (i32, i32) {
    %c0_i32 = arith.constant 0 : i32
    %c0_i32_0 = arith.constant 0 : i32
    return %c0_i32, %arg0 : i32, i32
  }
  func.func @transform_4(%arg0: i32, %arg1: i32) -> (i32, i32, i32) {
    %c0_i32 = arith.constant 0 : i32
    %c0_i32_0 = arith.constant 0 : i32
    return %arg1, %c0_i32, %arg0 : i32, i32, i32
  }
}

module attributes {stable_mosaic.version = 14 : i64} {
  func.func @_mlp_body(%arg0: memref<4096x48xf32, #tpu.memory_space<vmem>>, %arg1: memref<48x4096xf32, #tpu.memory_space<vmem>>, %arg2: memref<48x200xf32, #tpu.memory_space<vmem>>, %arg3: memref<48x200xf32, #tpu.memory_space<vmem>>, %arg4: memref<1x200xf32, #tpu.memory_space<vmem>>, %arg5: memref<1x200xf32, #tpu.memory_space<vmem>>, %arg6: memref<1x200xf32, #tpu.memory_space<vmem>>, %arg7: memref<1x200xf32, #tpu.memory_space<vmem>>, %arg8: memref<200x80xf32, #tpu.memory_space<vmem>>, %arg9: memref<1x80xf32, #tpu.memory_space<vmem>>, %arg10: memref<1x80xf32, #tpu.memory_space<vmem>>, %arg11: memref<1x80xf32, #tpu.memory_space<vmem>>, %arg12: memref<1x80xf32, #tpu.memory_space<vmem>>, %arg13: memref<80x2xf32, #tpu.memory_space<vmem>>, %arg14: memref<1x2xf32, #tpu.memory_space<vmem>>, %arg15: memref<4096x2xf32, #tpu.memory_space<vmem>>) attributes {dimension_semantics = [], scalar_prefetch = 0 : i64, scratch_operands = 0 : i64, tpu.core_type = #tpu.core_type<tc>} {
    %get3A = arith.constant 0 : index
    %get3A_0 = arith.constant 0 : index
    %get3A_1 = vector.load %arg0[%get3A, %get3A_0] : memref<4096x48xf32, #tpu.memory_space<vmem>>, vector<4096x48xf32>
    %get3A_2 = arith.constant 0 : index
    %get3A_3 = arith.constant 0 : index
    %get3A_4 = vector.load %arg2[%get3A_2, %get3A_3] : memref<48x200xf32, #tpu.memory_space<vmem>>, vector<48x200xf32>
    %dot_general3A = arith.constant dense<0.000000e+00> : vector<4096x200xf32>
    %dot_general3A_5 = tpu.matmul %get3A_1, %get3A_4, %dot_general3A {dimension_numbers = #tpu.dot_dimension_numbers<[1], [0], [0], [1], [0, 0, 1, 1], [], []>, transpose_lhs_hint = false} : vector<4096x48xf32>, vector<48x200xf32>, vector<4096x200xf32> -> vector<4096x200xf32>
    %get3A_6 = arith.constant 0 : index
    %get3A_7 = arith.constant 0 : index
    %get3A_8 = vector.load %arg1[%get3A_6, %get3A_7] : memref<48x4096xf32, #tpu.memory_space<vmem>>, vector<48x4096xf32>
    %get3A_9 = arith.constant 0 : index
    %get3A_10 = arith.constant 0 : index
    %get3A_11 = vector.load %arg3[%get3A_9, %get3A_10] : memref<48x200xf32, #tpu.memory_space<vmem>>, vector<48x200xf32>
    %dot_general3A_12 = arith.constant dense<0.000000e+00> : vector<4096x200xf32>
    %dot_general3A_13 = tpu.matmul %get3A_8, %get3A_11, %dot_general3A_12 {dimension_numbers = #tpu.dot_dimension_numbers<[0], [0], [1], [1], [0, 1, 1, 1], [], []>, transpose_lhs_hint = false} : vector<48x4096xf32>, vector<48x200xf32>, vector<4096x200xf32> -> vector<4096x200xf32>
    %add3A = arith.addf %dot_general3A_5, %dot_general3A_13 : vector<4096x200xf32>
    %get3A_14 = arith.constant 0 : index
    %get3A_15 = arith.constant 0 : index
    %get3A_16 = vector.load %arg4[%get3A_14, %get3A_15] : memref<1x200xf32, #tpu.memory_space<vmem>>, vector<1x200xf32>
    %add3A_17 = vector.broadcast %get3A_16 : vector<1x200xf32> to vector<4096x200xf32>
    %add3A_18 = arith.addf %add3A, %add3A_17 : vector<4096x200xf32>
    %get3A_19 = arith.constant 0 : index
    %get3A_20 = arith.constant 0 : index
    %get3A_21 = vector.load %arg5[%get3A_19, %get3A_20] : memref<1x200xf32, #tpu.memory_space<vmem>>, vector<1x200xf32>
    %get3A_22 = arith.constant 0 : index
    %get3A_23 = arith.constant 0 : index
    %get3A_24 = vector.load %arg6[%get3A_22, %get3A_23] : memref<1x200xf32, #tpu.memory_space<vmem>>, vector<1x200xf32>
    %reduce_sum3A = arith.constant dense<0.000000e+00> : vector<4096xf32>
    %reduce_sum3A_25 = vector.multi_reduction <add>, %add3A_18, %reduce_sum3A [1] : vector<4096x200xf32> to vector<4096xf32>
    %broadcast_in_dim3A = vector.shape_cast %reduce_sum3A_25 : vector<4096xf32> to vector<4096x1xf32>
    %div3A = arith.constant 2.000000e+02 : f32
    %div3A_26 = vector.broadcast %div3A : f32 to vector<4096x1xf32>
    %div3A_27 = arith.divf %broadcast_in_dim3A, %div3A_26 : vector<4096x1xf32>
    %sub3A = vector.broadcast %div3A_27 : vector<4096x1xf32> to vector<4096x200xf32>
    %sub3A_28 = arith.subf %add3A_18, %sub3A : vector<4096x200xf32>
    %integer_pow3A = arith.mulf %sub3A_28, %sub3A_28 : vector<4096x200xf32>
    %reduce_sum3A_29 = arith.constant dense<0.000000e+00> : vector<4096xf32>
    %reduce_sum3A_30 = vector.multi_reduction <add>, %integer_pow3A, %reduce_sum3A_29 [1] : vector<4096x200xf32> to vector<4096xf32>
    %broadcast_in_dim3A_31 = vector.shape_cast %reduce_sum3A_30 : vector<4096xf32> to vector<4096x1xf32>
    %div3A_32 = arith.constant 2.000000e+02 : f32
    %div3A_33 = vector.broadcast %div3A_32 : f32 to vector<4096x1xf32>
    %div3A_34 = arith.divf %broadcast_in_dim3A_31, %div3A_33 : vector<4096x1xf32>
    %sub3A_35 = vector.broadcast %div3A_27 : vector<4096x1xf32> to vector<4096x200xf32>
    %sub3A_36 = arith.subf %add3A_18, %sub3A_35 : vector<4096x200xf32>
    %mul3A = vector.broadcast %get3A_21 : vector<1x200xf32> to vector<4096x200xf32>
    %mul3A_37 = arith.mulf %mul3A, %sub3A_36 : vector<4096x200xf32>
    %add3A_38 = arith.constant 1.000000e-03 : f32
    %add3A_39 = vector.broadcast %add3A_38 : f32 to vector<4096x1xf32>
    %add3A_40 = arith.addf %div3A_34, %add3A_39 : vector<4096x1xf32>
    %sqrt3A = math.sqrt %add3A_40 : vector<4096x1xf32>
    %div3A_41 = vector.broadcast %sqrt3A : vector<4096x1xf32> to vector<4096x200xf32>
    %div3A_42 = arith.divf %mul3A_37, %div3A_41 : vector<4096x200xf32>
    %add3A_43 = vector.broadcast %get3A_24 : vector<1x200xf32> to vector<4096x200xf32>
    %add3A_44 = arith.addf %div3A_42, %add3A_43 : vector<4096x200xf32>
    %get3A_45 = arith.constant 0 : index
    %get3A_46 = arith.constant 0 : index
    %get3A_47 = vector.load %arg7[%get3A_45, %get3A_46] : memref<1x200xf32, #tpu.memory_space<vmem>>, vector<1x200xf32>
    %reduce_sum3A_48 = arith.constant dense<0.000000e+00> : vector<200xf32>
    %reduce_sum3A_49 = vector.multi_reduction <add>, %add3A_44, %reduce_sum3A_48 [0] : vector<4096x200xf32> to vector<200xf32>
    %broadcast_in_dim3A_50 = vector.shape_cast %reduce_sum3A_49 : vector<200xf32> to vector<1x200xf32>
    %div3A_51 = arith.constant 4.096000e+03 : f32
    %div3A_52 = vector.broadcast %div3A_51 : f32 to vector<1x200xf32>
    %div3A_53 = arith.divf %broadcast_in_dim3A_50, %div3A_52 : vector<1x200xf32>
    %sub3A_54 = vector.broadcast %div3A_53 : vector<1x200xf32> to vector<4096x200xf32>
    %sub3A_55 = arith.subf %add3A_44, %sub3A_54 : vector<4096x200xf32>
    %integer_pow3A_56 = arith.mulf %sub3A_55, %sub3A_55 : vector<4096x200xf32>
    %reduce_sum3A_57 = arith.constant dense<0.000000e+00> : vector<200xf32>
    %reduce_sum3A_58 = vector.multi_reduction <add>, %integer_pow3A_56, %reduce_sum3A_57 [0] : vector<4096x200xf32> to vector<200xf32>
    %broadcast_in_dim3A_59 = vector.shape_cast %reduce_sum3A_58 : vector<200xf32> to vector<1x200xf32>
    %div3A_60 = arith.constant 4.096000e+03 : f32
    %div3A_61 = vector.broadcast %div3A_60 : f32 to vector<1x200xf32>
    %div3A_62 = arith.divf %broadcast_in_dim3A_59, %div3A_61 : vector<1x200xf32>
    %sub3A_63 = vector.broadcast %div3A_53 : vector<1x200xf32> to vector<4096x200xf32>
    %sub3A_64 = arith.subf %add3A_44, %sub3A_63 : vector<4096x200xf32>
    %add3A_65 = arith.constant 1.000000e-03 : f32
    %add3A_66 = vector.broadcast %add3A_65 : f32 to vector<1x200xf32>
    %add3A_67 = arith.addf %div3A_62, %add3A_66 : vector<1x200xf32>
    %sqrt3A_68 = math.sqrt %add3A_67 : vector<1x200xf32>
    %div3A_69 = vector.broadcast %sqrt3A_68 : vector<1x200xf32> to vector<4096x200xf32>
    %div3A_70 = arith.divf %sub3A_64, %div3A_69 : vector<4096x200xf32>
    %neg3A = arith.constant 0.000000e+00 : f32
    %neg3A_71 = vector.broadcast %neg3A : f32 to vector<4096x200xf32>
    %neg3A_72 = arith.subf %neg3A_71, %div3A_70 : vector<4096x200xf32>
    %exp3A = math.exp %neg3A_72 : vector<4096x200xf32>
    %add3A_73 = arith.constant 1.000000e+00 : f32
    %add3A_74 = vector.broadcast %add3A_73 : f32 to vector<4096x200xf32>
    %add3A_75 = arith.addf %add3A_74, %exp3A : vector<4096x200xf32>
    %div3A_76 = arith.constant 1.000000e+00 : f32
    %div3A_77 = vector.broadcast %div3A_76 : f32 to vector<4096x200xf32>
    %div3A_78 = arith.divf %div3A_77, %add3A_75 : vector<4096x200xf32>
    %sub3A_79 = arith.constant 1.000000e+00 : f32
    %sub3A_80 = vector.broadcast %sub3A_79 : f32 to vector<4096x200xf32>
    %sub3A_81 = arith.subf %sub3A_80, %div3A_78 : vector<4096x200xf32>
    %mul3A_82 = vector.broadcast %get3A_47 : vector<1x200xf32> to vector<4096x200xf32>
    %mul3A_83 = arith.mulf %mul3A_82, %sub3A_81 : vector<4096x200xf32>
    %mul3A_84 = arith.mulf %mul3A_83, %add3A_44 : vector<4096x200xf32>
    %mul3A_85 = arith.mulf %div3A_78, %add3A_44 : vector<4096x200xf32>
    %add3A_86 = arith.addf %mul3A_84, %mul3A_85 : vector<4096x200xf32>
    %get3A_87 = arith.constant 0 : index
    %get3A_88 = arith.constant 0 : index
    %get3A_89 = vector.load %arg8[%get3A_87, %get3A_88] : memref<200x80xf32, #tpu.memory_space<vmem>>, vector<200x80xf32>
    %dot_general3A_90 = arith.constant dense<0.000000e+00> : vector<4096x80xf32>
    %dot_general3A_91 = tpu.matmul %add3A_86, %get3A_89, %dot_general3A_90 {dimension_numbers = #tpu.dot_dimension_numbers<[1], [0], [0], [1], [0, 0, 1, 1], [], []>, transpose_lhs_hint = false} : vector<4096x200xf32>, vector<200x80xf32>, vector<4096x80xf32> -> vector<4096x80xf32>
    %get3A_92 = arith.constant 0 : index
    %get3A_93 = arith.constant 0 : index
    %get3A_94 = vector.load %arg9[%get3A_92, %get3A_93] : memref<1x80xf32, #tpu.memory_space<vmem>>, vector<1x80xf32>
    %add3A_95 = vector.broadcast %get3A_94 : vector<1x80xf32> to vector<4096x80xf32>
    %add3A_96 = arith.addf %dot_general3A_91, %add3A_95 : vector<4096x80xf32>
    %get3A_97 = arith.constant 0 : index
    %get3A_98 = arith.constant 0 : index
    %get3A_99 = vector.load %arg10[%get3A_97, %get3A_98] : memref<1x80xf32, #tpu.memory_space<vmem>>, vector<1x80xf32>
    %get3A_100 = arith.constant 0 : index
    %get3A_101 = arith.constant 0 : index
    %get3A_102 = vector.load %arg11[%get3A_100, %get3A_101] : memref<1x80xf32, #tpu.memory_space<vmem>>, vector<1x80xf32>
    %reduce_sum3A_103 = arith.constant dense<0.000000e+00> : vector<4096xf32>
    %reduce_sum3A_104 = vector.multi_reduction <add>, %add3A_96, %reduce_sum3A_103 [1] : vector<4096x80xf32> to vector<4096xf32>
    %broadcast_in_dim3A_105 = vector.shape_cast %reduce_sum3A_104 : vector<4096xf32> to vector<4096x1xf32>
    %div3A_106 = arith.constant 8.000000e+01 : f32
    %div3A_107 = vector.broadcast %div3A_106 : f32 to vector<4096x1xf32>
    %div3A_108 = arith.divf %broadcast_in_dim3A_105, %div3A_107 : vector<4096x1xf32>
    %sub3A_109 = vector.broadcast %div3A_108 : vector<4096x1xf32> to vector<4096x80xf32>
    %sub3A_110 = arith.subf %add3A_96, %sub3A_109 : vector<4096x80xf32>
    %integer_pow3A_111 = arith.mulf %sub3A_110, %sub3A_110 : vector<4096x80xf32>
    %reduce_sum3A_112 = arith.constant dense<0.000000e+00> : vector<4096xf32>
    %reduce_sum3A_113 = vector.multi_reduction <add>, %integer_pow3A_111, %reduce_sum3A_112 [1] : vector<4096x80xf32> to vector<4096xf32>
    %broadcast_in_dim3A_114 = vector.shape_cast %reduce_sum3A_113 : vector<4096xf32> to vector<4096x1xf32>
    %div3A_115 = arith.constant 8.000000e+01 : f32
    %div3A_116 = vector.broadcast %div3A_115 : f32 to vector<4096x1xf32>
    %div3A_117 = arith.divf %broadcast_in_dim3A_114, %div3A_116 : vector<4096x1xf32>
    %sub3A_118 = vector.broadcast %div3A_108 : vector<4096x1xf32> to vector<4096x80xf32>
    %sub3A_119 = arith.subf %add3A_96, %sub3A_118 : vector<4096x80xf32>
    %mul3A_120 = vector.broadcast %get3A_99 : vector<1x80xf32> to vector<4096x80xf32>
    %mul3A_121 = arith.mulf %mul3A_120, %sub3A_119 : vector<4096x80xf32>
    %add3A_122 = arith.constant 1.000000e-03 : f32
    %add3A_123 = vector.broadcast %add3A_122 : f32 to vector<4096x1xf32>
    %add3A_124 = arith.addf %div3A_117, %add3A_123 : vector<4096x1xf32>
    %sqrt3A_125 = math.sqrt %add3A_124 : vector<4096x1xf32>
    %div3A_126 = vector.broadcast %sqrt3A_125 : vector<4096x1xf32> to vector<4096x80xf32>
    %div3A_127 = arith.divf %mul3A_121, %div3A_126 : vector<4096x80xf32>
    %add3A_128 = vector.broadcast %get3A_102 : vector<1x80xf32> to vector<4096x80xf32>
    %add3A_129 = arith.addf %div3A_127, %add3A_128 : vector<4096x80xf32>
    %get3A_130 = arith.constant 0 : index
    %get3A_131 = arith.constant 0 : index
    %get3A_132 = vector.load %arg12[%get3A_130, %get3A_131] : memref<1x80xf32, #tpu.memory_space<vmem>>, vector<1x80xf32>
    %reduce_sum3A_133 = arith.constant dense<0.000000e+00> : vector<80xf32>
    %reduce_sum3A_134 = vector.multi_reduction <add>, %add3A_129, %reduce_sum3A_133 [0] : vector<4096x80xf32> to vector<80xf32>
    %broadcast_in_dim3A_135 = vector.shape_cast %reduce_sum3A_134 : vector<80xf32> to vector<1x80xf32>
    %div3A_136 = arith.constant 4.096000e+03 : f32
    %div3A_137 = vector.broadcast %div3A_136 : f32 to vector<1x80xf32>
    %div3A_138 = arith.divf %broadcast_in_dim3A_135, %div3A_137 : vector<1x80xf32>
    %sub3A_139 = vector.broadcast %div3A_138 : vector<1x80xf32> to vector<4096x80xf32>
    %sub3A_140 = arith.subf %add3A_129, %sub3A_139 : vector<4096x80xf32>
    %integer_pow3A_141 = arith.mulf %sub3A_140, %sub3A_140 : vector<4096x80xf32>
    %reduce_sum3A_142 = arith.constant dense<0.000000e+00> : vector<80xf32>
    %reduce_sum3A_143 = vector.multi_reduction <add>, %integer_pow3A_141, %reduce_sum3A_142 [0] : vector<4096x80xf32> to vector<80xf32>
    %broadcast_in_dim3A_144 = vector.shape_cast %reduce_sum3A_143 : vector<80xf32> to vector<1x80xf32>
    %div3A_145 = arith.constant 4.096000e+03 : f32
    %div3A_146 = vector.broadcast %div3A_145 : f32 to vector<1x80xf32>
    %div3A_147 = arith.divf %broadcast_in_dim3A_144, %div3A_146 : vector<1x80xf32>
    %sub3A_148 = vector.broadcast %div3A_138 : vector<1x80xf32> to vector<4096x80xf32>
    %sub3A_149 = arith.subf %add3A_129, %sub3A_148 : vector<4096x80xf32>
    %add3A_150 = arith.constant 1.000000e-03 : f32
    %add3A_151 = vector.broadcast %add3A_150 : f32 to vector<1x80xf32>
    %add3A_152 = arith.addf %div3A_147, %add3A_151 : vector<1x80xf32>
    %sqrt3A_153 = math.sqrt %add3A_152 : vector<1x80xf32>
    %div3A_154 = vector.broadcast %sqrt3A_153 : vector<1x80xf32> to vector<4096x80xf32>
    %div3A_155 = arith.divf %sub3A_149, %div3A_154 : vector<4096x80xf32>
    %neg3A_156 = arith.constant 0.000000e+00 : f32
    %neg3A_157 = vector.broadcast %neg3A_156 : f32 to vector<4096x80xf32>
    %neg3A_158 = arith.subf %neg3A_157, %div3A_155 : vector<4096x80xf32>
    %exp3A_159 = math.exp %neg3A_158 : vector<4096x80xf32>
    %add3A_160 = arith.constant 1.000000e+00 : f32
    %add3A_161 = vector.broadcast %add3A_160 : f32 to vector<4096x80xf32>
    %add3A_162 = arith.addf %add3A_161, %exp3A_159 : vector<4096x80xf32>
    %div3A_163 = arith.constant 1.000000e+00 : f32
    %div3A_164 = vector.broadcast %div3A_163 : f32 to vector<4096x80xf32>
    %div3A_165 = arith.divf %div3A_164, %add3A_162 : vector<4096x80xf32>
    %sub3A_166 = arith.constant 1.000000e+00 : f32
    %sub3A_167 = vector.broadcast %sub3A_166 : f32 to vector<4096x80xf32>
    %sub3A_168 = arith.subf %sub3A_167, %div3A_165 : vector<4096x80xf32>
    %mul3A_169 = vector.broadcast %get3A_132 : vector<1x80xf32> to vector<4096x80xf32>
    %mul3A_170 = arith.mulf %mul3A_169, %sub3A_168 : vector<4096x80xf32>
    %mul3A_171 = arith.mulf %mul3A_170, %add3A_129 : vector<4096x80xf32>
    %mul3A_172 = arith.mulf %div3A_165, %add3A_129 : vector<4096x80xf32>
    %add3A_173 = arith.addf %mul3A_171, %mul3A_172 : vector<4096x80xf32>
    %get3A_174 = arith.constant 0 : index
    %get3A_175 = arith.constant 0 : index
    %get3A_176 = vector.load %arg13[%get3A_174, %get3A_175] : memref<80x2xf32, #tpu.memory_space<vmem>>, vector<80x2xf32>
    %dot_general3A_177 = arith.constant dense<0.000000e+00> : vector<4096x2xf32>
    %dot_general3A_178 = tpu.matmul %add3A_173, %get3A_176, %dot_general3A_177 {dimension_numbers = #tpu.dot_dimension_numbers<[1], [0], [0], [1], [0, 0, 1, 1], [], []>, transpose_lhs_hint = false} : vector<4096x80xf32>, vector<80x2xf32>, vector<4096x2xf32> -> vector<4096x2xf32>
    %get3A_179 = arith.constant 0 : index
    %get3A_180 = arith.constant 0 : index
    %get3A_181 = vector.load %arg14[%get3A_179, %get3A_180] : memref<1x2xf32, #tpu.memory_space<vmem>>, vector<1x2xf32>
    %add3A_182 = vector.broadcast %get3A_181 : vector<1x2xf32> to vector<4096x2xf32>
    %add3A_183 = arith.addf %dot_general3A_178, %add3A_182 : vector<4096x2xf32>
    %reduce_max3A = arith.constant dense<0xFF800000> : vector<4096xf32>
    %reduce_max3A_184 = vector.multi_reduction <maximumf>, %add3A_183, %reduce_max3A [1] : vector<4096x2xf32> to vector<4096xf32>
    %broadcast_in_dim3A_185 = vector.shape_cast %reduce_max3A_184 : vector<4096xf32> to vector<4096x1xf32>
    %sub3A_186 = vector.broadcast %broadcast_in_dim3A_185 : vector<4096x1xf32> to vector<4096x2xf32>
    %sub3A_187 = arith.subf %add3A_183, %sub3A_186 : vector<4096x2xf32>
    %exp3A_188 = math.exp %sub3A_187 : vector<4096x2xf32>
    %reduce_sum3A_189 = arith.constant dense<0.000000e+00> : vector<4096xf32>
    %reduce_sum3A_190 = vector.multi_reduction <add>, %exp3A_188, %reduce_sum3A_189 [1] : vector<4096x2xf32> to vector<4096xf32>
    %broadcast_in_dim3A_191 = vector.shape_cast %reduce_sum3A_190 : vector<4096xf32> to vector<4096x1xf32>
    %div3A_192 = vector.broadcast %broadcast_in_dim3A_191 : vector<4096x1xf32> to vector<4096x2xf32>
    %div3A_193 = arith.divf %exp3A_188, %div3A_192 : vector<4096x2xf32>
    %swap3A = arith.constant 0 : index
    %swap3A_194 = arith.constant 0 : index
    %swap3A_195 = vector.load %arg15[%swap3A, %swap3A_194] : memref<4096x2xf32, #tpu.memory_space<vmem>>, vector<4096x2xf32>
    tpu.vector_store %arg15[%swap3A, %swap3A_194], %div3A_193 {strides = array<i32>} : memref<4096x2xf32, #tpu.memory_space<vmem>>, vector<4096x2xf32>,
    return
  }
}

</mosaic_0001>

<sc_bundles>
// kernel: kernel.5.cloned.1.call-start
scs
__scs_entry_jumppad:
0x0: {  	(pc) =	sbr.rel $0x88, $3  }
0x1: {  	(tag) =	ssettag $0x0;
	lr =	simm.s32 $0x1  }
0x2: {  	[smem:$0x3F8E] =	sst lr;
	_ =	strace $0xD0000000  }
0x3: {  	_ = 	snop  }
0x4: {  	_ = 	snop  }
0x5: {  	_ = 	snop  }
0x6: {  	_ = 	snop  }
0x7: {  	_ = 	snop  }
__scs_overlays_trampoline_lowered:
0x8: {  	[smem:$0x3F9D] =	sst s0  }
0x9: {  	[smem:$0x3F9E] =	sst s1  }
0xa: {  	[smem:$0x3F9F] =	sst s2  }
0xb: {  	[smem:$0x3FA0] =	sst s3  }
0xc: {  	[smem:$0x3FA1] =	sst s4  }
0xd: {  	[smem:$0x3FA2] =	sst s5  }
0xe: {  	[smem:$0x3FA3] =	sst s6  }
0xf: {  	[smem:$0x3FA4] =	sst s7  }
0x10: {  	[smem:$0x3FA5] =	sst s8  }
0x11: {  	[smem:$0x3FA6] =	sst s9;
	s0 =	simm.s32 @!p0 $0x0  }
0x12: {  	s1 =	sld [smem:$0x3F8C];
	s0 =	simm.s32 @p0 $0x1  }
0x13: {  	[smem:$0x3FA7] =	sst s0;
	s0 =	simm.s32 @!p1 $0x0  }
0x14: {  	s2 =	sld [smem:$0x3F8B];
	s0 =	simm.s32 @p1 $0x1  }
0x15: {  	[smem:$0x3FA8] =	sst s0;
	s0 =	simm.s32 @!p2 $0x0  }
0x16: {  	s3 =	sld [smem:$0x3FDB];
	s0 =	simm.s32 @p2 $0x1  }
0x17: {  	s4 =	simm.s32 $0x1BF5;
	[smem:$0x3FAA] =	sst s0  }
0x18: {  	s0 =	sld [smem:$0x3F8D];
	_ =	swait.ge [sflag:s4], $0x0  }
0x19: {  	s7 =	sld [smem:$0x3F8E]  }
0x1a: {  	s8 =	sadd.s32 $0xFFFFE003, lr  }
0x1b: {  	s9 =	sadd.s32 $0xFFFFFEF7, lr;
	s5 =	simm.s32 $0xFFFFFFFF;
	p2 =	slt.u32 s8, $0xFFFFF086  }
0x1c: {  	p1 =	slt.u32 s9, $0xF7A;
	s5 =	simm.s32 @!p2 $0x0  }
0x1d: {  	s5 =	simm.s32 @p1 $0x1;
	p0 =	seq.s32 s7, s2  }
0x1e: {  	s7 =	smul.u32 @!p0 $0xF7A, s2;
	p2 =	seq.s32 @!p0 s5, $0x0  }
0x1f: {  	s9 =	smul.u32 $0xF7A, s1;
	s8 =	simm.s32 @!p0 $0x1BF5;
	p2 =	por !p2, p0  }
0x20: {  	[sflag:s8] =	ssyncset.s32 @!p0 $0xFFFFF086;
	s6 =	sadd.s32 @!p0 s3, s7;
	s7 =	simm.s32 @!p0 $0x108  }
0x21: {  	s3 =	sadd.s32 s3, s9;
	s6 =	sadd.s32 @!p0 $0x88, s6;
	s7 =	simm.s32 @p2 $0x1082  }
0x22: {  	[simem:s7], [sflag:s8] =	dma.local @!p0 [hbm:s6], $0xF7A  }
0x23: {  	s9 =	sor.u32 $0xD0000000, s2;
	s6 =	simm.s32 $0x108;
	_ =	swait.ge @!p0 [sflag:s8], $0x0  }
0x24: {  	s3 =	sadd.s32 $0x88, s3;
	s6 =	simm.s32 @!p1 $0x1082;
	[sflag:s4] =	ssyncset.s32 $0xFFFFF086  }
0x25: {  	[simem:s6], [sflag:s4] =	dma.local [hbm:s3], $0xF7A  }
0x26: {  	[smem:$0x3F8E] =	sst s1;
	(tag) =	ssettag s2;
	_ =	strace s9  }
0x27: {  	s1 =	sld [smem:$0x3F9E]  }
0x28: {  	s2 =	sld [smem:$0x3F9F]  }
0x29: {  	s4 =	sld [smem:$0x3FA1]  }
0x2a: {  	p0 =	seq.s32 s5, $0x0;
	s5 =	sld [smem:$0x3FA2]  }
0x2b: {  	s6 =	sld [smem:$0x3FA3]  }
0x2c: {  	s7 =	sld [smem:$0x3FA4]  }
0x2d: {  	s3 =	simm.s32 $0x108;
	s8 =	sld [smem:$0x3FA5]  }
0x2e: {  	s3 =	simm.s32 @!p0 $0x1082;
	s9 =	sld [smem:$0x3FA6]  }
0x2f: {  	lr =	sadd.s32 s0, s3;
	s0 =	sld [smem:$0x3F9D]  }
0x30: {  	s3 =	sld [smem:$0x3FA0]  }
0x31: {  	[smem:$0x3FA9] =	sst s10  }
0x32: {  	s10 =	sld [smem:$0x3FA7];
	_ =	sdelay $0x3  }
0x33: {  	p0 =	seq.s32 s10, $0x1;
	s10 =	sld [smem:$0x3FA9];
	_ =	sdelay $0x3  }
0x34: {  	[smem:$0x3FA9] =	sst s10  }
0x35: {  	s10 =	sld [smem:$0x3FA8];
	_ =	sdelay $0x3  }
0x36: {  	p1 =	seq.s32 s10, $0x1;
	s10 =	sld [smem:$0x3FA9];
	_ =	sdelay $0x3  }
0x37: {  	[smem:$0x3FA9] =	sst s10  }
0x38: {  	s10 =	sld [smem:$0x3FAA]  }
0x39: {  	_ = 	snop;
	(pc) =	sbr.ind lr, $3  }
0x3a: {  	_ = 	snop  }
0x3b: {  	_ = 	snop  }
0x3c: {  	p2 =	seq.s32 s10, $0x1;
	s10 =	sld [smem:$0x3FA9]  }
0x3d: {  	_ =	shalt  }
0x3e: {  	_ =	shalt  }
0x3f: {  	_ =	shalt  }
0x40: {  	_ =	shalt  }
0x41: {  	_ =	shalt  }
0x42: {  	_ =	shalt  }
0x43: {  	_ =	shalt  }
0x44: {  	_ =	shalt  }
0x45: {  	_ =	shalt  }
0x46: {  	_ =	shalt  }
0x47: {  	_ =	shalt  }
0x48: {  	_ =	shalt  }
0x49: {  	_ =	shalt  }
0x4a: {  	_ =	shalt  }
0x4b: {  	_ =	shalt  }
0x4c: {  	_ =	shalt  }
0x4d: {  	_ =	shalt  }
0x4e: {  	_ =	shalt  }
0x4f: {  	_ =	shalt  }
0x50: {  	_ =	shalt  }
0x51: {  	_ =	shalt  }
0x52: {  	_ =	shalt  }
0x53: {  	_ =	shalt  }
0x54: {  	_ =	shalt  }
0x55: {  	_ =	shalt  }
0x56: {  	_ =	shalt  }
0x57: {  	_ =	shalt  }
0x58: {  	_ =	shalt  }
0x59: {  	_ =	shalt  }
0x5a: {  	_ =	shalt  }
0x5b: {  	_ =	shalt  }
0x5c: {  	_ =	shalt  }
0x5d: {  	_ =	shalt  }
0x5e: {  	_ =	shalt  }
0x5f: {  	_ =	shalt  }
0x60: {  	_ =	shalt  }
0x61: {  	_ =	shalt  }
0x62: {  	_ =	shalt  }
0x63: {  	_ =	shalt  }
0x64: {  	_ =	shalt  }
0x65: {  	_ =	shalt  }
0x66: {  	_ =	shalt  }
0x67: {  	_ =	shalt  }
0x68: {  	_ =	shalt  }
0x69: {  	_ =	shalt  }
0x6a: {  	_ =	shalt  }
0x6b: {  	_ =	shalt  }
0x6c: {  	_ =	shalt  }
0x6d: {  	_ =	shalt  }
0x6e: {  	_ =	shalt  }
0x6f: {  	_ =	shalt  }
0x70: {  	_ =	shalt  }
0x71: {  	_ =	shalt  }
0x72: {  	_ =	shalt  }
0x73: {  	_ =	shalt  }
0x74: {  	_ =	shalt  }
0x75: {  	_ =	shalt  }
0x76: {  	_ =	shalt  }
0x77: {  	_ =	shalt  }
0x78: {  	_ =	shalt  }
0x79: {  	_ =	shalt  }
0x7a: {  	_ =	shalt  }
0x7b: {  	_ =	shalt  }
0x7c: {  	_ =	shalt  }
0x7d: {  	_ =	shalt  }
0x7e: {  	_ =	shalt  }
0x7f: {  	_ =	shalt  }
0x80: {  	_ =	shalt  }
0x81: {  	_ =	shalt  }
0x82: {  	_ =	shalt  }
0x83: {  	_ =	shalt  }
0x84: {  	_ =	shalt  }
0x85: {  	_ =	shalt  }
0x86: {  	_ =	shalt  }
0x87: {  	_ =	shalt  }
.Lfunc_end0:
.L_simem_size_0:
called_computation_lowered:
.L_overlay_start_0:
0x88: {  	s2 =	sld [smem:$0x3FD9]  }
0x89: {  	s3 =	sld [smem:$0x3FFE];
	_ =	sdelay $0x1  }
0x8a: {  	s1 =	srdreg.scid  }
0x8b: {  	s0 =	sand.u32 $0x1, s1  }
0x8c: {  	s14 =	sshll.u32 s0, $0xA;
	s2 =	sadd.s32 s3, s2  }
0x8d: {  	s2 =	sadd.s32 s2, s14  }
0x8e: {  	[smem:$0x3FB5] =	sst s2  }
0x8f: {  	_ = 	snop  }
0x90: {  	s2 =	sld [smem:$0x3FD0]  }
0x91: {  	s15 =	sld [smem:$0x3FC9]  }
0x92: {  	s4 =	sld [smem:$0x3FC8]  }
0x93: {  	s6 =	simm.s32 $0xA;
	s7 =	simm.s32 $0x10;
	s5 =	sld [smem:$0x3FC7]  }
0x94: {  	[smem:s7], [sflag:s6] =	dma.local [hbm:s2], $0x1  }
0x95: {  	_ =	swait.eq [sflag:s6], $0x1  }
0x96: {  	[sflag:s6] =	ssyncset.done $0x0  }
0x97: {  	[sflag:s6] =	ssyncadd.s32 $0xFFFFFFFF  }
0x98: {  	s16 =	sld [smem:$0x11];
	(tm) =	ssettm $0x1  }
0x99: {  	s17 =	sld [smem:$0x3FFB];
	_ =	sdelay $0x3  }
0x9a: {  	_ =	strace s17  }
0x9b: {  	s6 =	sld [smem:$0x3FFC];
	_ =	sdelay $0x3  }
0x9c: {  	_ =	strace s6  }
0x9d: {  	s6 =	sld [smem:$0x3FFD];
	_ =	sdelay $0x3  }
0x9e: {  	_ =	strace s6  }
0x9f: {  	_ =	strace $0x8FFFFFFF  }
0xa0: {  	s18 =	sld [smem:$0x3FDB];
	_ =	sdelay $0x1  }
0xa1: {  	s19 =	simm.s32 $_scs_section_size  }
0xa2: {  	s8 =	simm.s32 $_size__tile_overlayer_lowered;
	s9 =	simm.s32 $_tile_overlayer_lowered  }
0xa3: {  	s22 =	simm.s32 $0x1BFF;
	s21 =	sshll.u32 s9, $0x1;
	s6 =	sadd.s32 s19, s18  }
0xa4: {  	s10 =	simm.s32 $0x0;
	s20 =	sshll.u32 s8, $0x1;
	s8 =	sadd.s32 s21, s6  }
0xa5: {  	[timem:s10], [sflag:s22] =	dma.local [hbm:s8], s20  }
0xa6: {  	_ =	swait.ge [sflag:s22], s20  }
0xa7: {  	s7 =	ssub.s32 $0x0, s20;
	[sflag:s22] =	ssyncset.done $0x0  }
0xa8: {  	[sflag:s22] =	ssyncadd.s32 s7;
	_ =	sdelay $0x1  }
0xa9: {  	s23 =	simm.s32 $0x1B8B  }
0xaa: {  	_ =	swait.ge [sflag:s23], $0x1  }
0xab: {  	[sflag:s23] =	ssyncset.done $0x0  }
0xac: {  	s25 =	simm.s32 $0x1B8E;
	s24 =	sld [smem:$0x3FFE];
	[sflag:s23] =	ssyncadd.s32 $0xFFFFFFFF  }
0xad: {  	s26 =	simm.s32 $execute0_lowered;
	[smem:$0x3FD2] =	sst s25  }
0xae: {  	s8 =	sshll.u32 s26, $0x1;
	_ =	strace $0x80000046;
	[dreg:$0x1] =	wrdreg $0xFFFFFFFF  }
0xaf: {  	s28 =	simm.s32 $_size_execute0_lowered;
	s6 =	sadd.s32 s6, s8;
	[dreg:$0x0] =	wrdreg $0x0  }
0xb0: {  	s8 =	sshll.u32 s28, $0x1;
	[dreg:$0x2] =	wrdreg s6  }
0xb1: {  	[dreg:$0x3] =	wrdreg s8  }
0xb2: {  	[dreg:$0x4] =	wrdreg $0xC0  }
0xb3: {  	_ =	task [dreg:s10], $0x5FFFF  }
0xb4: {  	[dreg:$0x1] =	wrdreg $0xFFFFFFFF  }
0xb5: {  	[dreg:$0x0] =	wrdreg $0x60  }
0xb6: {  	[dreg:$0x2] =	wrdreg s15  }
0xb7: {  	[dreg:$0x3] =	wrdreg s4  }
0xb8: {  	[dreg:$0x4] =	wrdreg s5  }
0xb9: {  	[dreg:$0x5] =	wrdreg s24  }
0xba: {  	[dreg:$0x6] =	wrdreg s16  }
0xbb: {  	[dreg:$0x7] =	wrdreg $0x9  }
0xbc: {  	_ =	task.clear_ibuf [dreg:s10], $0x8FFFF;
	_ =	strace $0x90000046  }
0xbd: {  	s29 =	simm.s32 $0x9;
	_ =	strace $0x80000048  }
0xbe: {  	_ =	swait.ge [sflag:s29], $0x1  }
0xbf: {  	[sflag:s29] =	ssyncadd.s32 $0xFFFFFFFF  }
0xc0: {  	_ =	strace $0x90000048  }
0xc1: {  	_ =	sfence  }
0xc2: {  	s30 =	sld [smem:$0x0];
	_ =	sdelay $0x2  }
0xc3: {  	s31 =	sshll.u32 s1, $0xD;
	s1 =	sshrl.u32 s1, $0x2  }
0xc4: {  	s3 =	sand.u32 $0x4000, s31;
	s1 =	sadd.s32 s1, s30  }
0xc5: {  	s0 =	sor.u32 s3, s0;
	s1 =	sshll.u32 s1, $0x11  }
0xc6: {  	s0 =	sor.u32 s1, s0  }
0xc7: {  	s0 =	sadd.s32 $0x8F2B, s0  }
0xc8: {  	[sflag:s0] =	ssyncadd.remote.s32 $0x1  }
0xc9: {  	_ =	sfence.sel $0xFFFF  }
0xca: {  	[dreg:$0x0] =	wrdreg $0xFFFFFFFF;
	(pc) =	sbr.abs _section_cstart, $3  }
0xcb: {  	[dreg:$0x1] =	wrdreg $0xFFFFFFFF  }
0xcc: {  	_ =	task.clear_ibuf [dreg:s10], $0x2FFFF;
	_ =	strace $0x9FFFFFFF  }
0xcd: {  	(tm) =	ssettm $0x7FFFFFFF  }
tec
execute0_lowered:
.L_overlay_start_1:
0x0: {  	(tag) =	ssettag $0x1  }
0x1: {  	s0 =	rddreg [dreg:$0x0]  }
0x2: {  	s1 =	rddreg [dreg:$0x1]  }
0x3: {  	s7 =	rddreg [dreg:$0x2]  }
0x4: {  	s8 =	rddreg [dreg:$0x3]  }
0x5: {  	s9 =	rddreg [dreg:$0x4];
	s2 =	simm.s32 $0x0  }
0x6: {  	s3 =	srdreg.scid;
	s16 =	stileid.u32;
	s28 =	simm.s32 $0x320  }
0x7: {  	s29 =	simm.s32 $0x44C0;
	s31 =	simm.s32 $0x76C0;
	[smem:$0x7FF] =	sst s2  }
0x8: {  	s10 =	sand.u32 $0x1, s3;
	s5 =	sshll.u32 s16, $0x1;
	s3 =	sadd.s32 $0x34A00, s8  }
0x9: {  	s4 =	sadd.s32 $0x1BA00, s8;
	s6 =	sadd.s32 $0xF44E00, s8;
	s30 =	smul.u32 $0xC800, s16  }
0xa: {  	s17 =	smul.u32 $0x4B000, s16;
	_ =	strace $0x80000047;
	s11 =	sor.u32 s10, s5  }
0xb: {  	s5 =	sadd.s32 $0x2A00, s8;
	s13 =	ssub.s32 $0x2, s10;
	s19 =	smul.u32 $0x25800, s10  }
0xc: {  	s12 =	smul.u32 $0x300, s11;
	s14 =	sshrl.u32 s13, $0x1;
	s15 =	sshll.u32 s11, $0x4  }
0xd: {  	s24 =	smul.u32 $0x6400, s11;
	s21 =	ssub.s32 s13, s14;
	s0 =	sadd.s32 s0, s15  }
0xe: {  	s23 =	sadd.s32 s1, s15;
	s26 =	sadd.s32 s7, s15;
	s13 =	smul.u32 $0x6400, s10  }
0xf: {  	s1 =	simm.s32 $0xA8C0;
	s7 =	simm.s32 $0xC80;
	[dreg:$0x7] =	wrdreg s0  }
0x10: {  	s10 =	simm.s32 $0x10CC0;
	s8 =	sadd.s32 s12, s8;
	[dreg:$0x9] =	wrdreg s23  }
0x11: {  	[dreg:$0xb] =	wrdreg s26;
	s0 =	sshrl.u32 s24, $0x3;
	s20 =	smax.u32 s21, $0x1  }
0x12: {  	s21 =	sadd.s32 s17, s9;
	s22 =	sadd.s32 $0x4DA00, s8;
	[dreg:$0x10] =	wrdreg s20  }
0x13: {  	s9 =	simm.s32 $0xFA0;
	s25 =	sadd.s32 $0x4DA02, s8;
	[dreg:$0x8] =	wrdreg s22  }
0x14: {  	s12 =	simm.s32 $0x0;
	s11 =	sadd.s32 $0x4DA04, s8;
	[dreg:$0xa] =	wrdreg s25  }
0x15: {  	s14 =	sadd.s32 s3, s0;
	s15 =	sadd.s32 s4, s0;
	[dreg:$0xc] =	wrdreg s11  }
0x16: {  	s0 =	sadd.s32 s5, s0;
	s18 =	sadd.s32 s13, s30;
	[dreg:$0xd] =	wrdreg s14  }
0x17: {  	s23 =	sadd.s32 s19, s21;
	s21 =	simm.s32 $0x2;
	[dreg:$0xe] =	wrdreg s15  }
0x18: {  	s8 =	simm.s32 $0xDAC0;
	[dreg:$0xf] =	wrdreg s0;
	s22 =	sor.u32 $0x320, s18  }
0x19: {  	s0 =	sadd.s32 $0x640, s18;
	[dreg:$0x6] =	wrdreg s23;
	s24 =	sshrl.u32 s22, $0x3  }
0x1a: {  	s23 =	simm.s32 $0x12C0;
	[dreg:$0x11] =	wrdreg s0;
	s25 =	sadd.s32 s24, s5  }
0x1b: {  	s0 =	simm.s32 $0x960;
	s26 =	sadd.s32 s24, s4;
	[dreg:$0x12] =	wrdreg s25  }
0x1c: {  	s30 =	sadd.s32 s24, s3;
	s24 =	simm.s32 $0x1;
	[dreg:$0x13] =	wrdreg s26  }
0x1d: {  	[dreg:$0x14] =	wrdreg s30;
	s25 =	simm.s32 $0x10;
	s26 =	simm.s32 $0x30  }
.LBB2_1:
0x1e: {  	[dreg:$0x15] =	wrdreg s12  }
0x1f: {  	s11 =	rddreg [dreg:$0x7]  }
0x20: {  	[tilespmem:s2], [sflag:$0x2] =	stream.linear.gather [hbm4b:s11+s2], $0x80, $0x38;
	[tilespmem:$0x13EC0] =	vst v63  }
0x21: {  	_ =	swait.ge [sflag:s21], $0x80  }
0x22: {  	[sflag:s21] =	ssyncset.done $0x0  }
0x23: {  	s16 =	simm.s32 $0x80;
	[sflag:s21] =	ssyncadd.s32 $0xFFFFFF80  }
0x24: {  	[tilespmem:s23], [sflag:$0x1] =	stream.indirect.gather [hbm4b:s6+s16], $0x10, s2, s16, $0xb8;
	[tilespmem:$0x13EC0] =	vst v63  }
0x25: {  	_ =	swait.ge [sflag:s24], $0x800  }
0x26: {  	[sflag:s24] =	ssyncset.done $0x0  }
0x27: {  	s17 =	rddreg [dreg:$0x8];
	[sflag:s24] =	ssyncadd.s32 $0xFFFFF800  }
0x28: {  	[hbm4b:s17+s25] =	stream.strided.scatter [tilespmem:s23], [sflag:$0x2], $0x800, s26, s25, $0x38;
	[tilespmem:$0x13EC0] =	vst v63  }
0x29: {  	_ =	swait.ge [sflag:s21], $0x800  }
0x2a: {  	[sflag:s21] =	ssyncset.done $0x0  }
0x2b: {  	s18 =	rddreg [dreg:$0x9];
	[sflag:s21] =	ssyncadd.s32 $0xFFFFF800  }
0x2c: {  	[tilespmem:s28], [sflag:$0x2] =	stream.linear.gather [hbm4b:s18+s2], $0x80, $0x38;
	[tilespmem:$0x13EC0] =	vst v63  }
0x2d: {  	_ =	swait.ge [sflag:s21], $0x80  }
0x2e: {  	[sflag:s21] =	ssyncset.done $0x0  }
0x2f: {  	[sflag:s21] =	ssyncadd.s32 $0xFFFFFF80  }
0x30: {  	[tilespmem:s29], [sflag:$0x1] =	stream.indirect.gather [hbm4b:s6+s16], $0x10, s28, s16, $0xb8;
	[tilespmem:$0x13EC0] =	vst v63  }
0x31: {  	_ =	swait.ge [sflag:s24], $0x800  }
0x32: {  	[sflag:s24] =	ssyncset.done $0x0  }
0x33: {  	s19 =	rddreg [dreg:$0xa];
	[sflag:s24] =	ssyncadd.s32 $0xFFFFF800  }
0x34: {  	[hbm4b:s19+s25] =	stream.strided.scatter [tilespmem:s29], [sflag:$0x2], $0x800, s26, s25, $0x38;
	[tilespmem:$0x13EC0] =	vst v63  }
0x35: {  	_ =	swait.ge [sflag:s21], $0x800  }
0x36: {  	[sflag:s21] =	ssyncset.done $0x0  }
0x37: {  	s13 =	simm.s32 $0x640;
	s20 =	rddreg [dreg:$0xb];
	[sflag:s21] =	ssyncadd.s32 $0xFFFFF800  }
0x38: {  	[tilespmem:s13], [sflag:$0x2] =	stream.linear.gather [hbm4b:s20+s2], $0x80, $0x38;
	[tilespmem:$0x13EC0] =	vst v63  }
0x39: {  	_ =	swait.ge [sflag:s21], $0x80  }
0x3a: {  	[sflag:s21] =	ssyncset.done $0x0  }
0x3b: {  	[sflag:s21] =	ssyncadd.s32 $0xFFFFFF80  }
0x3c: {  	[tilespmem:s31], [sflag:$0x1] =	stream.indirect.gather [hbm4b:s6+s16], $0x10, s13, s16, $0xb8;
	[tilespmem:$0x13EC0] =	vst v63  }
0x3d: {  	_ =	swait.ge [sflag:s24], $0x800  }
0x3e: {  	[sflag:s24] =	ssyncset.done $0x0  }
0x3f: {  	s22 =	rddreg [dreg:$0xc];
	[sflag:s24] =	ssyncadd.s32 $0xFFFFF800  }
0x40: {  	[hbm4b:s22+s25] =	stream.strided.scatter [tilespmem:s31], [sflag:$0x2], $0x800, s26, s25, $0x38;
	[tilespmem:$0x13EC0] =	vst v63  }
0x41: {  	_ =	swait.ge [sflag:s21], $0x800  }
0x42: {  	[sflag:s21] =	ssyncset.done $0x0  }
0x43: {  	s30 =	rddreg [dreg:$0xd];
	[sflag:s21] =	ssyncadd.s32 $0xFFFFF800  }
0x44: {  	[tilespmem:s2], [sflag:$0x2] =	stream.linear.gather [hbm4b:s30+s2], $0x320, $0x38;
	[tilespmem:$0x13EC0] =	vst v63  }
0x45: {  	_ =	swait.ge [sflag:s21], $0x320  }
0x46: {  	[sflag:s21] =	ssyncset.done $0x0  }
0x47: {  	[sflag:s21] =	ssyncadd.s32 $0xFFFFFCE0  }
0x48: {  	[tilespmem:s23], [sflag:$0x1] =	stream.indirect.gather [hbm4b:s6+s28], $0x10, s2, s28, $0xb8;
	[tilespmem:$0x13EC0] =	vst v63  }
0x49: {  	s12 =	rddreg [dreg:$0xe]  }
0x4a: {  	[tilespmem:s28], [sflag:$0x2] =	stream.linear.gather [hbm4b:s12+s2], $0x320, $0x38;
	[tilespmem:$0x13EC0] =	vst v63  }
0x4b: {  	_ =	swait.ge [sflag:s21], $0x320  }
0x4c: {  	[sflag:s21] =	ssyncset.done $0x0  }
0x4d: {  	[sflag:s21] =	ssyncadd.s32 $0xFFFFFCE0  }
0x4e: {  	[tilespmem:s29], [sflag:$0x1] =	stream.indirect.gather [hbm4b:s6+s28], $0x10, s28, s28, $0xb8;
	[tilespmem:$0x13EC0] =	vst v63  }
0x4f: {  	s14 =	rddreg [dreg:$0xf]  }
0x50: {  	[tilespmem:s13], [sflag:$0x2] =	stream.linear.gather [hbm4b:s14+s2], $0x320, $0x38;
	[tilespmem:$0x13EC0] =	vst v63  }
0x51: {  	_ =	swait.ge [sflag:s21], $0x320  }
0x52: {  	[sflag:s21] =	ssyncset.done $0x0  }
0x53: {  	[sflag:s21] =	ssyncadd.s32 $0xFFFFFCE0  }
0x54: {  	[tilespmem:s31], [sflag:$0x1] =	stream.indirect.gather [hbm4b:s6+s28], $0x10, s13, s28, $0xb8;
	[tilespmem:$0x13EC0] =	vst v63  }
0x55: {  	s20 =	rddreg [dreg:$0x14]  }
0x56: {  	[tilespmem:s0], [sflag:$0x2] =	stream.linear.gather [hbm4b:s20+s2], $0x320, $0x38;
	[tilespmem:$0x13EC0] =	vst v63  }
0x57: {  	_ =	swait.ge [sflag:s21], $0x320  }
0x58: {  	[sflag:s21] =	ssyncset.done $0x0  }
0x59: {  	[sflag:s21] =	ssyncadd.s32 $0xFFFFFCE0  }
0x5a: {  	[tilespmem:s1], [sflag:$0x1] =	stream.indirect.gather [hbm4b:s6+s28], $0x10, s0, s28, $0xb8;
	[tilespmem:$0x13EC0] =	vst v63  }
0x5b: {  	s19 =	rddreg [dreg:$0x13]  }
0x5c: {  	[tilespmem:s7], [sflag:$0x2] =	stream.linear.gather [hbm4b:s19+s2], $0x320, $0x38;
	[tilespmem:$0x13EC0] =	vst v63  }
0x5d: {  	_ =	swait.ge [sflag:s21], $0x320  }
0x5e: {  	[sflag:s21] =	ssyncset.done $0x0  }
0x5f: {  	[sflag:s21] =	ssyncadd.s32 $0xFFFFFCE0  }
0x60: {  	[tilespmem:s8], [sflag:$0x1] =	stream.indirect.gather [hbm4b:s6+s28], $0x10, s7, s28, $0xb8;
	[tilespmem:$0x13EC0] =	vst v63  }
0x61: {  	s18 =	rddreg [dreg:$0x12]  }
0x62: {  	[tilespmem:s9], [sflag:$0x2] =	stream.linear.gather [hbm4b:s18+s2], $0x320, $0x38;
	[tilespmem:$0x13EC0] =	vst v63  }
0x63: {  	_ =	swait.ge [sflag:s21], $0x320  }
0x64: {  	[sflag:s21] =	ssyncset.done $0x0  }
0x65: {  	[sflag:s21] =	ssyncadd.s32 $0xFFFFFCE0  }
0x66: {  	[tilespmem:s10], [sflag:$0x1] =	stream.indirect.gather [hbm4b:s6+s28], $0x10, s9, s28, $0xb8;
	[tilespmem:$0x13EC0] =	vst v63  }
0x67: {  	_ =	swait.ge [sflag:s24], $0x3200  }
0x68: {  	s15 =	rddreg [dreg:$0x6];
	[sflag:s24] =	ssyncset.done $0x0  }
0x69: {  	[sflag:s24] =	ssyncadd.s32 $0xFFFFCE00;
	s12 =	sadd.s32 $0x0, s15  }
0x6a: {  	[hbm4b:s12+s25] =	stream.strided.scatter [tilespmem:s23], [sflag:$0x2], $0x3200, s26, s25, $0x38;
	[tilespmem:$0x13EC0] =	vst v63  }
0x6b: {  	_ =	swait.ge [sflag:s21], $0x3200  }
0x6c: {  	[sflag:s21] =	ssyncset.done $0x0  }
0x6d: {  	[sflag:s21] =	ssyncadd.s32 $0xFFFFCE00  }
0x6e: {  	_ =	swait.ge [sflag:s24], $0x3200  }
0x6f: {  	[sflag:s24] =	ssyncset.done $0x0  }
0x70: {  	s16 =	sadd.s32 $0x2, s12;
	[sflag:s24] =	ssyncadd.s32 $0xFFFFCE00  }
0x71: {  	[hbm4b:s16+s25] =	stream.strided.scatter [tilespmem:s29], [sflag:$0x2], $0x3200, s26, s25, $0x38;
	[tilespmem:$0x13EC0] =	vst v63  }
0x72: {  	_ =	swait.ge [sflag:s21], $0x3200  }
0x73: {  	[sflag:s21] =	ssyncset.done $0x0  }
0x74: {  	[sflag:s21] =	ssyncadd.s32 $0xFFFFCE00  }
0x75: {  	_ =	swait.ge [sflag:s24], $0x3200  }
0x76: {  	[sflag:s24] =	ssyncset.done $0x0  }
0x77: {  	s17 =	sadd.s32 $0x4, s12;
	[sflag:s24] =	ssyncadd.s32 $0xFFFFCE00  }
0x78: {  	[hbm4b:s17+s25] =	stream.strided.scatter [tilespmem:s31], [sflag:$0x2], $0x3200, s26, s25, $0x38;
	[tilespmem:$0x13EC0] =	vst v63  }
0x79: {  	_ =	swait.ge [sflag:s21], $0x3200  }
0x7a: {  	p0 =	por $0x0, $0x0;
	s11 =	rddreg [dreg:$0x11]  }
0x7b: {  	s14 =	simm.s32 @!p0 $0x2;
	[sflag:s21] =	ssyncset.done $0x0;
	s13 =	sshrl.u32 @!p0 s11, $0x3  }
0x7c: {  	s16 =	simm.s32 @!p0 $0x0;
	[sflag:s21] =	ssyncadd.s32 $0xFFFFCE00;
	s15 =	sadd.s32 @!p0 s3, s13  }
0x7d: {  	[tilespmem:s16], [sflag:$0x2] =	stream.linear.gather @!p0 [hbm4b:s15+s16], $0x320, $0x38;
	[tilespmem:$0x13EC0] =	vst v63  }
0x7e: {  	_ =	swait.ge @!p0 [sflag:s14], $0x320  }
0x7f: {  	[sflag:s14] =	ssyncset.done @!p0 $0x0  }
0x80: {  	s17 =	simm.s32 @!p0 $0x12C0;
	s15 =	simm.s32 @!p0 $0x320;
	[sflag:s14] =	ssyncadd.s32 @!p0 $0xFFFFFCE0  }
0x81: {  	[tilespmem:s17], [sflag:$0x1] =	stream.indirect.gather @!p0 [hbm4b:s6+s15], $0x10, s16, s15, $0xb8;
	[tilespmem:$0x13EC0] =	vst v63  }
0x82: {  	s17 =	sadd.s32 @!p0 s4, s13  }
0x83: {  	[tilespmem:s15], [sflag:$0x2] =	stream.linear.gather @!p0 [hbm4b:s17+s16], $0x320, $0x38;
	[tilespmem:$0x13EC0] =	vst v63  }
0x84: {  	_ =	swait.ge @!p0 [sflag:s14], $0x320  }
0x85: {  	[sflag:s14] =	ssyncset.done @!p0 $0x0  }
0x86: {  	s17 =	simm.s32 @!p0 $0x44C0;
	[sflag:s14] =	ssyncadd.s32 @!p0 $0xFFFFFCE0  }
0x87: {  	[tilespmem:s17], [sflag:$0x1] =	stream.indirect.gather @!p0 [hbm4b:s6+s15], $0x10, s15, s15, $0xb8;
	[tilespmem:$0x13EC0] =	vst v63  }
0x88: {  	s13 =	sadd.s32 @!p0 s5, s13;
	s17 =	simm.s32 @!p0 $0x640  }
0x89: {  	[tilespmem:s17], [sflag:$0x2] =	stream.linear.gather @!p0 [hbm4b:s13+s16], $0x320, $0x38;
	[tilespmem:$0x13EC0] =	vst v63  }
0x8a: {  	_ =	swait.ge @!p0 [sflag:s14], $0x320  }
0x8b: {  	[sflag:s14] =	ssyncset.done @!p0 $0x0  }
0x8c: {  	s13 =	simm.s32 @!p0 $0x76C0;
	[sflag:s14] =	ssyncadd.s32 @!p0 $0xFFFFFCE0  }
0x8d: {  	[tilespmem:s13], [sflag:$0x1] =	stream.indirect.gather @!p0 [hbm4b:s6+s15], $0x10, s17, s15, $0xb8;
	[tilespmem:$0x13EC0] =	vst v63  }
0x8e: {  	_ =	swait.ge [sflag:s24], $0x3200  }
0x8f: {  	[sflag:s24] =	ssyncset.done $0x0  }
0x90: {  	s22 =	sadd.s32 $0x12C0, s12;
	[sflag:s24] =	ssyncadd.s32 $0xFFFFCE00  }
0x91: {  	[hbm4b:s22+s25] =	stream.strided.scatter [tilespmem:s1], [sflag:$0x2], $0x3200, s26, s25, $0x38;
	[tilespmem:$0x13EC0] =	vst v63  }
0x92: {  	_ =	swait.ge [sflag:s21], $0x3200  }
0x93: {  	[sflag:s21] =	ssyncset.done $0x0  }
0x94: {  	[sflag:s21] =	ssyncadd.s32 $0xFFFFCE00  }
0x95: {  	_ =	swait.ge [sflag:s24], $0x3200  }
0x96: {  	[sflag:s24] =	ssyncset.done $0x0  }
0x97: {  	s30 =	sadd.s32 $0x12C2, s12;
	[sflag:s24] =	ssyncadd.s32 $0xFFFFCE00  }
0x98: {  	[hbm4b:s30+s25] =	stream.strided.scatter [tilespmem:s8], [sflag:$0x2], $0x3200, s26, s25, $0x38;
	[tilespmem:$0x13EC0] =	vst v63  }
0x99: {  	_ =	swait.ge [sflag:s21], $0x3200  }
0x9a: {  	[sflag:s21] =	ssyncset.done $0x0  }
0x9b: {  	[sflag:s21] =	ssyncadd.s32 $0xFFFFCE00  }
0x9c: {  	_ =	swait.ge [sflag:s24], $0x3200  }
0x9d: {  	[sflag:s24] =	ssyncset.done $0x0  }
0x9e: {  	s12 =	sadd.s32 $0x12C4, s12;
	s14 =	sadd.s32 $0xC8, s18;
	[sflag:s24] =	ssyncadd.s32 $0xFFFFCE00  }
0x9f: {  	[hbm4b:s12+s25] =	stream.strided.scatter [tilespmem:s10], [sflag:$0x2], $0x3200, s26, s25, $0x38;
	[tilespmem:$0x13EC0] =	vst v63  }
0xa0: {  	s13 =	sadd.s32 $0xC8, s20;
	s15 =	sadd.s32 $0xC8, s19;
	_ =	swait.ge [sflag:s21], $0x3200  }
0xa1: {  	s17 =	smov.u32 s11;
	s12 =	simm.s32 $0x2580;
	[sflag:s21] =	ssyncset.done $0x0  }
.LBB2_2:
0xa2: {  	[sflag:s21] =	ssyncadd.s32 $0xFFFFCE00  }
0xa3: {  	[tilespmem:s0], [sflag:$0x2] =	stream.linear.gather [hbm4b:s13+s2], $0x320, $0x38;
	[tilespmem:$0x13EC0] =	vst v63  }
0xa4: {  	_ =	swait.ge [sflag:s21], $0x320  }
0xa5: {  	[sflag:s21] =	ssyncset.done $0x0  }
0xa6: {  	[sflag:s21] =	ssyncadd.s32 $0xFFFFFCE0  }
0xa7: {  	[tilespmem:s1], [sflag:$0x1] =	stream.indirect.gather [hbm4b:s6+s28], $0x10, s0, s28, $0xb8;
	[tilespmem:$0x13EC0] =	vst v63  }
0xa8: {  	_ = 	snop  }
0xa9: {  	[tilespmem:s7], [sflag:$0x2] =	stream.linear.gather [hbm4b:s15+s2], $0x320, $0x38;
	[tilespmem:$0x13EC0] =	vst v63  }
0xaa: {  	_ =	swait.ge [sflag:s21], $0x320  }
0xab: {  	[sflag:s21] =	ssyncset.done $0x0  }
0xac: {  	[sflag:s21] =	ssyncadd.s32 $0xFFFFFCE0  }
0xad: {  	[tilespmem:s8], [sflag:$0x1] =	stream.indirect.gather [hbm4b:s6+s28], $0x10, s7, s28, $0xb8;
	[tilespmem:$0x13EC0] =	vst v63  }
0xae: {  	_ = 	snop  }
0xaf: {  	[tilespmem:s9], [sflag:$0x2] =	stream.linear.gather [hbm4b:s14+s2], $0x320, $0x38;
	[tilespmem:$0x13EC0] =	vst v63  }
0xb0: {  	_ =	swait.ge [sflag:s21], $0x320  }
0xb1: {  	[sflag:s21] =	ssyncset.done $0x0  }
0xb2: {  	[sflag:s21] =	ssyncadd.s32 $0xFFFFFCE0  }
0xb3: {  	[tilespmem:s10], [sflag:$0x1] =	stream.indirect.gather [hbm4b:s6+s28], $0x10, s9, s28, $0xb8;
	[tilespmem:$0x13EC0] =	vst v63  }
0xb4: {  	_ =	swait.ge [sflag:s24], $0x3200  }
0xb5: {  	s16 =	smov.u32 s12;
	s22 =	rddreg [dreg:$0x6];
	[sflag:s24] =	ssyncset.done $0x0  }
0xb6: {  	[sflag:s24] =	ssyncadd.s32 $0xFFFFCE00;
	s22 =	sadd.s32 s16, s22  }
0xb7: {  	[hbm4b:s22+s25] =	stream.strided.scatter [tilespmem:s23], [sflag:$0x2], $0x3200, s26, s25, $0x38;
	[tilespmem:$0x13EC0] =	vst v63  }
0xb8: {  	_ =	swait.ge [sflag:s21], $0x3200  }
0xb9: {  	[sflag:s21] =	ssyncset.done $0x0  }
0xba: {  	[sflag:s21] =	ssyncadd.s32 $0xFFFFCE00  }
0xbb: {  	_ =	swait.ge [sflag:s24], $0x3200  }
0xbc: {  	[sflag:s24] =	ssyncset.done $0x0  }
0xbd: {  	s18 =	sadd.s32 $0x2, s22;
	[sflag:s24] =	ssyncadd.s32 $0xFFFFCE00  }
0xbe: {  	[hbm4b:s18+s25] =	stream.strided.scatter [tilespmem:s29], [sflag:$0x2], $0x3200, s26, s25, $0x38;
	[tilespmem:$0x13EC0] =	vst v63  }
0xbf: {  	_ =	swait.ge [sflag:s21], $0x3200  }
0xc0: {  	[sflag:s21] =	ssyncset.done $0x0  }
0xc1: {  	[sflag:s21] =	ssyncadd.s32 $0xFFFFCE00  }
0xc2: {  	_ =	swait.ge [sflag:s24], $0x3200  }
0xc3: {  	[sflag:s24] =	ssyncset.done $0x0  }
0xc4: {  	s11 =	sadd.s32 $0x4, s22;
	[sflag:s24] =	ssyncadd.s32 $0xFFFFCE00  }
0xc5: {  	[hbm4b:s11+s25] =	stream.strided.scatter [tilespmem:s31], [sflag:$0x2], $0x3200, s26, s25, $0x38;
	[tilespmem:$0x13EC0] =	vst v63  }
0xc6: {  	s17 =	sadd.s32 $0x640, s17;
	p1 =	seq.s32 s16, $0x23280;
	_ =	swait.ge [sflag:s21], $0x3200  }
0xc7: {  	s20 =	simm.s32 @!p1 $0x0;
	s16 =	sshrl.u32 @!p1 s17, $0x3;
	[sflag:s21] =	ssyncset.done $0x0  }
0xc8: {  	s19 =	sadd.s32 @!p1 s3, s16;
	s18 =	simm.s32 @!p1 $0x2;
	[sflag:s21] =	ssyncadd.s32 $0xFFFFCE00  }
0xc9: {  	[tilespmem:s20], [sflag:$0x2] =	stream.linear.gather @!p1 [hbm4b:s19+s20], $0x320, $0x38;
	[tilespmem:$0x13EC0] =	vst v63  }
0xca: {  	_ =	swait.ge @!p1 [sflag:s18], $0x320  }
0xcb: {  	[sflag:s18] =	ssyncset.done @!p1 $0x0  }
0xcc: {  	s30 =	simm.s32 @!p1 $0x320;
	s11 =	simm.s32 @!p1 $0x12C0;
	[sflag:s18] =	ssyncadd.s32 @!p1 $0xFFFFFCE0  }
0xcd: {  	[tilespmem:s11], [sflag:$0x1] =	stream.indirect.gather @!p1 [hbm4b:s6+s30], $0x10, s20, s30, $0xb8;
	[tilespmem:$0x13EC0] =	vst v63  }
0xce: {  	s19 =	sadd.s32 @!p1 s4, s16  }
0xcf: {  	[tilespmem:s30], [sflag:$0x2] =	stream.linear.gather @!p1 [hbm4b:s19+s20], $0x320, $0x38;
	[tilespmem:$0x13EC0] =	vst v63  }
0xd0: {  	_ =	swait.ge @!p1 [sflag:s18], $0x320  }
0xd1: {  	[sflag:s18] =	ssyncset.done @!p1 $0x0  }
0xd2: {  	s11 =	simm.s32 @!p1 $0x44C0;
	[sflag:s18] =	ssyncadd.s32 @!p1 $0xFFFFFCE0  }
0xd3: {  	[tilespmem:s11], [sflag:$0x1] =	stream.indirect.gather @!p1 [hbm4b:s6+s30], $0x10, s30, s30, $0xb8;
	[tilespmem:$0x13EC0] =	vst v63  }
0xd4: {  	s16 =	sadd.s32 @!p1 s5, s16;
	s11 =	simm.s32 @!p1 $0x640  }
0xd5: {  	[tilespmem:s11], [sflag:$0x2] =	stream.linear.gather @!p1 [hbm4b:s16+s20], $0x320, $0x38;
	[tilespmem:$0x13EC0] =	vst v63  }
0xd6: {  	_ =	swait.ge @!p1 [sflag:s18], $0x320  }
0xd7: {  	[sflag:s18] =	ssyncset.done @!p1 $0x0  }
0xd8: {  	s16 =	simm.s32 @!p1 $0x76C0;
	[sflag:s18] =	ssyncadd.s32 @!p1 $0xFFFFFCE0  }
0xd9: {  	[tilespmem:s16], [sflag:$0x1] =	stream.indirect.gather @!p1 [hbm4b:s6+s30], $0x10, s11, s30, $0xb8;
	[tilespmem:$0x13EC0] =	vst v63  }
0xda: {  	_ =	swait.ge [sflag:s24], $0x3200  }
0xdb: {  	[sflag:s24] =	ssyncset.done $0x0  }
0xdc: {  	s19 =	sadd.s32 $0x12C0, s22;
	[sflag:s24] =	ssyncadd.s32 $0xFFFFCE00  }
0xdd: {  	[hbm4b:s19+s25] =	stream.strided.scatter [tilespmem:s1], [sflag:$0x2], $0x3200, s26, s25, $0x38;
	[tilespmem:$0x13EC0] =	vst v63  }
0xde: {  	_ =	swait.ge [sflag:s21], $0x3200  }
0xdf: {  	[sflag:s21] =	ssyncset.done $0x0  }
0xe0: {  	[sflag:s21] =	ssyncadd.s32 $0xFFFFCE00  }
0xe1: {  	_ =	swait.ge [sflag:s24], $0x3200  }
0xe2: {  	[sflag:s24] =	ssyncset.done $0x0  }
0xe3: {  	s20 =	sadd.s32 $0x12C2, s22;
	[sflag:s24] =	ssyncadd.s32 $0xFFFFCE00  }
0xe4: {  	[hbm4b:s20+s25] =	stream.strided.scatter [tilespmem:s8], [sflag:$0x2], $0x3200, s26, s25, $0x38;
	[tilespmem:$0x13EC0] =	vst v63  }
0xe5: {  	_ =	swait.ge [sflag:s21], $0x3200  }
0xe6: {  	[sflag:s21] =	ssyncset.done $0x0  }
0xe7: {  	s12 =	sadd.s32 $0x2580, s12;
	[sflag:s21] =	ssyncadd.s32 $0xFFFFCE00  }
0xe8: {  	p0 =	sne.s32 s12, $0x25800;
	_ =	swait.ge [sflag:s24], $0x3200  }
.Ltmp0:
0xe9: {  	[sflag:s24] =	ssyncset.done $0x0;
	(pc) =	sbr.rel @p0 .LBB2_2-.Ltmp0, $4  }
0xea: {  	s30 =	sadd.s32 $0x12C4, s22;
	[sflag:s24] =	ssyncadd.s32 $0xFFFFCE00  }
0xeb: {  	[hbm4b:s30+s25] =	stream.strided.scatter [tilespmem:s10], [sflag:$0x2], $0x3200, s26, s25, $0x38;
	[tilespmem:$0x13EC0] =	vst v63  }
0xec: {  	s13 =	sadd.s32 $0xC8, s13;
	_ =	swait.ge [sflag:s21], $0x3200  }
0xed: {  	s15 =	sadd.s32 $0xC8, s15;
	s14 =	sadd.s32 $0xC8, s14;
	[sflag:s21] =	ssyncset.done $0x0  }
0xee: {  	s12 =	rddreg [dreg:$0x15]  }
0xef: {  	s11 =	rddreg [dreg:$0x10];
	s12 =	sadd.s32 $0x1, s12  }
0xf0: {  	p0 =	sne.s32 s12, s11  }
.Ltmp1:
0xf1: {  	_ = 	snop;
	(pc) =	sbr.rel @p0 .LBB2_1-.Ltmp1, $2  }
0xf2: {  	_ =	sdelay $0x2  }
0xf3: {  	[sflag:s21] =	ssyncadd.s32 $0xFFFFCE00  }
0xf4: {  	_ =	sfence.sel $0x180000  }
0xf5: {  	[bflag:$0x0] =	sbarrier.arrive $0xFFFF  }
0xf6: {  	_ =	strace $0x90000047  }
0xf7: {  	s0 =	stileid.u32;
	[bflag:$0x2] =	sbarrier.arrive $0xFFFF  }
0xf8: {  	p0 =	sne.s32 s0, $0x0;
	s0 =	rddreg [dreg:$0x5]  }
0xf9: {  	s0 =	sadd.s32 @!p0 $0x100000, s0  }
0xfa: {  	[sflag:s0] =	ssyncadd.tile.s32 @!p0 $0x1;
	_ =	shalt  }
.Lfunc_end2:
_tile_overlayer_lowered:
.L_overlay_start_2:
0xfb: {  	(tag) =	ssettag $0x2  }
0xfc: {  	s0 =	rddreg [dreg:$0x0];
	s2 =	stileid.u32  }
0xfd: {  	s1 =	rddreg [dreg:$0x1];
	p0 =	sne.s32 s2, $0x0  }
0xfe: {  	s3 =	rddreg [dreg:$0x2];
	[bflag:$0x3] =	sbarrier.arrive $0xFFFF;
	s2 =	simm.s32 @!p0 $0x1C02  }
0xff: {  	[timem:s3], [sflag:s2] =	dma.local @!p0 [hbm:s0], s1  }
0x100: {  	s0 =	simm.s32 @!p0 $0x2  }
0x101: {  	_ =	swait.ge @!p0 [sflag:s0], s1  }
0x102: {  	s1 =	ssub.s32 @!p0 $0x0, s1;
	[sflag:s0] =	ssyncset.done @!p0 $0x0  }
0x103: {  	[sflag:s0] =	ssyncadd.s32 @!p0 s1  }
0x104: {  	[bflag:$0x3] =	sbarrier.arrive $0xFFFF  }
0x105: {  	_ =	shalt  }

</sc_bundles>
